<compile_context>
chip_gen: v7x
topology: tpu7x:2x2x1
jax: 0.10.2.dev20260603
libtpu: 0.0.44.dev20260713+nightly
codegen_flags: <defaults>
</compile_context>

<pallas_src>
import functools

import jax
import jax.numpy as jnp
from jax import lax
from jax.experimental import pallas as pl
from jax.experimental.pallas import tpu as pltpu
from jax.experimental.pallas import tpu_sc as plsc

_NBUF = 6


def _round_up(x, m):
    return (x + m - 1) // m * m


def _make_kernel(B, S, D, C):
    try:
        info = plsc.get_sparse_core_info()
        NC, NS, L = info.num_cores, info.num_subcores, info.num_lanes
    except ValueError:
        NC, NS, L = 2, 16, 16
    NW = NC * NS
    assert B % NW == 0
    BW = B // NW
    assert D % L == 0
    UD = D // L
    SP = _round_up(S, 8)
    TAIL = BW % _NBUF
    MAIN = BW - TAIL

    mesh = plsc.VectorSubcoreMesh(core_axis_name="c", subcore_axis_name="s",
                                  num_cores=NC, num_subcores=NS)

    @functools.partial(
        pl.kernel,
        out_type=jax.ShapeDtypeStruct((B, D), jnp.float32),
        mesh=mesh,
        scratch_types=[
            pltpu.VMEM((BW, S), jnp.int32),
            pltpu.VMEM((BW * SP,), jnp.int32),
            [pltpu.VMEM((S, D), jnp.float32) for _ in range(_NBUF)],
            pltpu.VMEM((BW, D), jnp.float32),
            pltpu.VMEM((D,), jnp.float32),
            [pltpu.SemaphoreType.DMA for _ in range(_NBUF)],
        ],
    )
    def k(idx_hbm, w_hbm, bias_hbm, out_hbm,
          raw_v, ids_v, rows, acc_v, bias_v, sems):
        wid = lax.axis_index("s") * NC + lax.axis_index("c")
        base = wid * BW
        pltpu.sync_copy(idx_hbm.at[pl.ds(base, BW)], raw_v)
        pltpu.sync_copy(bias_hbm, bias_v)

        lane = lax.iota(jnp.int32, L)

        starts = [v * L for v in range(S // L)]
        if S % L:
            starts.append(S - L)

        def tok_body(j, carry):
            for p0 in starts:
                tok = raw_v[j, pl.ds(p0, L)] + (lane + p0) * C
                ids_v[pl.ds(j * SP + p0, L)] = tok
            return carry

        lax.fori_loop(0, _NBUF, tok_body, 0)

        def fire(j, buf, sem):
            pltpu.async_copy(w_hbm.at[ids_v.at[pl.ds(j * SP, S)]], buf, sem)

        def wait(buf, sem):
            pltpu.make_async_copy(w_hbm.at[ids_v.at[pl.ds(0, S)]], buf, sem).wait()

        bias_regs = tuple(bias_v[pl.ds(u * L, L)] for u in range(UD))

        def accum(j, buf):
            def body(r, accs):
                return tuple(a + buf[r, pl.ds(u * L, L)]
                             for u, a in enumerate(accs))

            accs = lax.fori_loop(0, S, body, bias_regs, unroll=2)
            for u in range(UD):
                acc_v[j, pl.ds(u * L, L)] = accs[u]

        for b in range(_NBUF):
            fire(b, rows[b], sems[b])

        lax.fori_loop(_NBUF, BW, tok_body, 0)

        def bag_body(t, carry):
            for b in range(_NBUF):
                j = _NBUF * t + b
                wait(rows[b], sems[b])
                accum(j, rows[b])

                @pl.when(j + _NBUF < BW)
                def _():
                    fire(j + _NBUF, rows[b], sems[b])

            return carry

        lax.fori_loop(0, MAIN // _NBUF, bag_body, 0)

        for b in range(TAIL):
            wait(rows[b], sems[b])
            accum(MAIN + b, rows[b])

        pltpu.sync_copy(acc_v, out_hbm.at[pl.ds(base, BW)])

    return k


def kernel(indices, weight, bias):
    B, S = indices.shape
    V, D = weight.shape
    C = V // S
    k = _make_kernel(B, S, D, C)
    return k(indices.astype(jnp.int32), weight, bias)

# --- scband reference (transcript-rebuilt; emitter-appended) ---
"""Pipeline reference for scband-legacy-compatible-embedding-bag-linear-50654844289240 (READ-ONLY COPY).

The authoritative reference and input builder live on the scoring server;
editing this copy changes nothing except your own understanding.
"""

import jax, jax.numpy as jnp
import numpy as np

STATE_SIZE = 100
NUM_CLASSES = 1000
OUT_FEATURES = 128
BATCH = 4096


def setup_inputs(seed: int = 0) -> dict:
    key = jax.random.key(seed)
    k1, k2, k3 = jax.random.split(key, 3)
    in_features = STATE_SIZE * NUM_CLASSES
    bound = 1.0 / np.sqrt(in_features)
    indices = jax.random.randint(k1, (BATCH, STATE_SIZE), 0, NUM_CLASSES)
    weight = jax.random.uniform(k2, (in_features, OUT_FEATURES), minval=-bound, maxval=bound, dtype=jnp.float32)
    bias = jax.random.uniform(k3, (OUT_FEATURES,), minval=-bound, maxval=bound, dtype=jnp.float32)
    return {"indices": indices, "weight": weight, "bias": bias}


def reference(indices, weight, bias):
    # token_ids = indices + position_offsets (disjoint id range per field)
    state_size = indices.shape[1]
    num_classes = weight.shape[0] // state_size
    position_offsets = jnp.arange(state_size, dtype=indices.dtype) * num_classes
    token_ids = indices + position_offsets[None, :]
    # F.embedding_bag(token_ids, weight, mode='sum'): gather rows then sum over bag dim
    gathered = jnp.take(weight, token_ids, axis=0)  # [B, state_size, out_features]
    out = gathered.sum(axis=1)
    out = out + bias
    return out

if __name__ == "__main__":
    import jax
    _d = setup_inputs()
    print(jax.jit(kernel)(*tuple(_d.values())))

</pallas_src>

<mosaic_0001>
#map = affine_map<(d0, d1) -> (0, 0)>
#map1 = affine_map<(d0, d1) -> (0)>
module attributes {stable_mosaic.version = 14 : i64} {
  func.func @k(%arg0: i32, %arg1: i32, %arg2: memref<4096x100xi32, #tpu.memory_space<hbm>>, %arg3: memref<100000x128xf32, #tpu.memory_space<hbm>>, %arg4: memref<128xf32, #tpu.memory_space<hbm>>, %arg5: memref<4096x128xf32, #tpu.memory_space<hbm>>, %arg6: memref<128x100xi32, #tpu.memory_space<vmem>>, %arg7: memref<13312xi32, #tpu.memory_space<vmem>>, %arg8: memref<100x128xf32, #tpu.memory_space<vmem>>, %arg9: memref<100x128xf32, #tpu.memory_space<vmem>>, %arg10: memref<100x128xf32, #tpu.memory_space<vmem>>, %arg11: memref<100x128xf32, #tpu.memory_space<vmem>>, %arg12: memref<100x128xf32, #tpu.memory_space<vmem>>, %arg13: memref<100x128xf32, #tpu.memory_space<vmem>>, %arg14: memref<128x128xf32, #tpu.memory_space<vmem>>, %arg15: memref<128xf32, #tpu.memory_space<vmem>>, %arg16: memref<!tpu.dma_semaphore, #tpu.memory_space<semaphore_mem>>, %arg17: memref<!tpu.dma_semaphore, #tpu.memory_space<semaphore_mem>>, %arg18: memref<!tpu.dma_semaphore, #tpu.memory_space<semaphore_mem>>, %arg19: memref<!tpu.dma_semaphore, #tpu.memory_space<semaphore_mem>>, %arg20: memref<!tpu.dma_semaphore, #tpu.memory_space<semaphore_mem>>, %arg21: memref<!tpu.dma_semaphore, #tpu.memory_space<semaphore_mem>>) attributes {dimension_semantics = [#tpu.dimension_semantics<core_parallel>, #tpu.dimension_semantics<subcore_parallel>], iteration_bounds = array<i64: 2, 16>, scalar_prefetch = 0 : i64, scratch_operands = 16 : i64, tpu.core_type = #tpu.core_type<sc_vector_subcore>, window_params = [{transform_indices = #map}, {transform_indices = #map}, {transform_indices = #map1}, {transform_indices = #map}]} {
    %mul3A = arith.constant 2 : i32
    %mul3A_0 = arith.muli %arg1, %mul3A : i32
    %add3A = arith.addi %mul3A_0, %arg0 : i32
    %mul3A_1 = arith.constant 128 : i32
    %mul3A_2 = arith.muli %add3A, %mul3A_1 : i32
    "tpu.region"() ({
      %run_scoped3A = tpu.sem_alloc : memref<!tpu.dma_semaphore, #tpu.memory_space<semaphore_mem>>
      %dma_start3A_188 = arith.constant 0 : i32
      %dma_start3A_189 = tpu.memref_slice %arg2[%mul3A_2, %dma_start3A_188] : memref<4096x100xi32, #tpu.memory_space<hbm>> -> memref<128x100xi32, #tpu.memory_space<hbm>>
      %dma_start3A_190 = arith.constant 0 : i32
      %dma_start3A_191 = tpu.memref_slice %arg2[%mul3A_2, %dma_start3A_190] : memref<4096x100xi32, #tpu.memory_space<hbm>> -> memref<128x100xi32, #tpu.memory_space<hbm>>
      tpu.enqueue_dma source(%dma_start3A_191 : memref<128x100xi32, #tpu.memory_space<hbm>>) target(%arg6 : memref<128x100xi32, #tpu.memory_space<vmem>>) target_semaphore(%run_scoped3A : memref<!tpu.dma_semaphore, #tpu.memory_space<semaphore_mem>>)
      %dma_wait3A_192 = arith.constant 0 : i32
      %dma_wait3A_193 = tpu.memref_slice %arg2[%mul3A_2, %dma_wait3A_192] : memref<4096x100xi32, #tpu.memory_space<hbm>> -> memref<128x100xi32, #tpu.memory_space<hbm>>
      %dma_wait3A_194 = arith.constant 0 : i32
      %dma_wait3A_195 = tpu.memref_slice %arg2[%mul3A_2, %dma_wait3A_194] : memref<4096x100xi32, #tpu.memory_space<hbm>> -> memref<128x100xi32, #tpu.memory_space<hbm>>
      tpu.wait_dma2 semaphore(%run_scoped3A : memref<!tpu.dma_semaphore, #tpu.memory_space<semaphore_mem>>) src(%dma_wait3A_195 : memref<128x100xi32, #tpu.memory_space<hbm>>) dst(%arg6 : memref<128x100xi32, #tpu.memory_space<vmem>>)
      tpu.yield
    }) : () -> ()
    "tpu.region"() ({
      %run_scoped3A = tpu.sem_alloc : memref<!tpu.dma_semaphore, #tpu.memory_space<semaphore_mem>>
      tpu.enqueue_dma source(%arg4 : memref<128xf32, #tpu.memory_space<hbm>>) target(%arg15 : memref<128xf32, #tpu.memory_space<vmem>>) target_semaphore(%run_scoped3A : memref<!tpu.dma_semaphore, #tpu.memory_space<semaphore_mem>>)
      tpu.wait_dma2 semaphore(%run_scoped3A : memref<!tpu.dma_semaphore, #tpu.memory_space<semaphore_mem>>) src(%arg4 : memref<128xf32, #tpu.memory_space<hbm>>) dst(%arg15 : memref<128xf32, #tpu.memory_space<vmem>>)
      tpu.yield
    }) : () -> ()
    %iota3A = tpu.iota {dimensions = array<i32: 0>} : vector<16xi32>
    %scan3A = arith.constant 0 : i32
    %scan3A_3 = arith.constant 0 : i32
    %scan3A_4 = arith.constant 6 : i32
    %scan3A_5 = arith.addi %scan3A_3, %scan3A_4 : i32
    %scan3A_6 = arith.constant 1 : i32
    scf.for %scan3A_188 = %scan3A_3 to %scan3A_5 step %scan3A_6  : i32 {
      %get3A_189 = arith.index_cast %scan3A_188 : i32 to index
      %get3A_190 = arith.constant 0 : index
      %get3A_191 = tpu.vector_load %arg6[%get3A_189, %get3A_190] {strides = array<i32>} : memref<128x100xi32, #tpu.memory_space<vmem>>, vector<1x16xi32>,
      %get3A_192 = vector.shape_cast %get3A_191 : vector<1x16xi32> to vector<16xi32>
      %add3A_193 = arith.constant 0 : i32
      %add3A_194 = vector.broadcast %add3A_193 : i32 to vector<16xi32>
      %add3A_195 = arith.addi %iota3A, %add3A_194 : vector<16xi32>
      %mul3A_196 = arith.constant 1000 : i32
      %mul3A_197 = vector.broadcast %mul3A_196 : i32 to vector<16xi32>
      %mul3A_198 = arith.muli %add3A_195, %mul3A_197 : vector<16xi32>
      %add3A_199 = arith.addi %get3A_192, %mul3A_198 : vector<16xi32>
      %mul3A_200 = arith.constant 104 : i32
      %mul3A_201 = arith.muli %scan3A_188, %mul3A_200 : i32
      %add3A_202 = arith.constant 0 : i32
      %add3A_203 = arith.addi %mul3A_201, %add3A_202 : i32
      %swap3A_204 = arith.index_cast %add3A_203 : i32 to index
      %swap3A_205 = tpu.vector_load %arg7[%swap3A_204] {strides = array<i32>} : memref<13312xi32, #tpu.memory_space<vmem>>, vector<16xi32>,
      %swap3A_206 = vector.shape_cast %swap3A_205 : vector<16xi32> to vector<16xi32>
      %swap3A_207 = vector.shape_cast %add3A_199 : vector<16xi32> to vector<16xi32>
      tpu.vector_store %arg7[%swap3A_204], %swap3A_207 {strides = array<i32>} : memref<13312xi32, #tpu.memory_space<vmem>>, vector<16xi32>,
      %get3A_208 = arith.index_cast %scan3A_188 : i32 to index
      %get3A_209 = arith.constant 16 : index
      %get3A_210 = tpu.vector_load %arg6[%get3A_208, %get3A_209] {strides = array<i32>} : memref<128x100xi32, #tpu.memory_space<vmem>>, vector<1x16xi32>,
      %get3A_211 = vector.shape_cast %get3A_210 : vector<1x16xi32> to vector<16xi32>
      %add3A_212 = arith.constant 16 : i32
      %add3A_213 = vector.broadcast %add3A_212 : i32 to vector<16xi32>
      %add3A_214 = arith.addi %iota3A, %add3A_213 : vector<16xi32>
      %mul3A_215 = arith.constant 1000 : i32
      %mul3A_216 = vector.broadcast %mul3A_215 : i32 to vector<16xi32>
      %mul3A_217 = arith.muli %add3A_214, %mul3A_216 : vector<16xi32>
      %add3A_218 = arith.addi %get3A_211, %mul3A_217 : vector<16xi32>
      %mul3A_219 = arith.constant 104 : i32
      %mul3A_220 = arith.muli %scan3A_188, %mul3A_219 : i32
      %add3A_221 = arith.constant 16 : i32
      %add3A_222 = arith.addi %mul3A_220, %add3A_221 : i32
      %swap3A_223 = arith.index_cast %add3A_222 : i32 to index
      %swap3A_224 = tpu.vector_load %arg7[%swap3A_223] {strides = array<i32>} : memref<13312xi32, #tpu.memory_space<vmem>>, vector<16xi32>,
      %swap3A_225 = vector.shape_cast %swap3A_224 : vector<16xi32> to vector<16xi32>
      %swap3A_226 = vector.shape_cast %add3A_218 : vector<16xi32> to vector<16xi32>
      tpu.vector_store %arg7[%swap3A_223], %swap3A_226 {strides = array<i32>} : memref<13312xi32, #tpu.memory_space<vmem>>, vector<16xi32>,
      %get3A_227 = arith.index_cast %scan3A_188 : i32 to index
      %get3A_228 = arith.constant 32 : index
      %get3A_229 = tpu.vector_load %arg6[%get3A_227, %get3A_228] {strides = array<i32>} : memref<128x100xi32, #tpu.memory_space<vmem>>, vector<1x16xi32>,
      %get3A_230 = vector.shape_cast %get3A_229 : vector<1x16xi32> to vector<16xi32>
      %add3A_231 = arith.constant 32 : i32
      %add3A_232 = vector.broadcast %add3A_231 : i32 to vector<16xi32>
      %add3A_233 = arith.addi %iota3A, %add3A_232 : vector<16xi32>
      %mul3A_234 = arith.constant 1000 : i32
      %mul3A_235 = vector.broadcast %mul3A_234 : i32 to vector<16xi32>
      %mul3A_236 = arith.muli %add3A_233, %mul3A_235 : vector<16xi32>
      %add3A_237 = arith.addi %get3A_230, %mul3A_236 : vector<16xi32>
      %mul3A_238 = arith.constant 104 : i32
      %mul3A_239 = arith.muli %scan3A_188, %mul3A_238 : i32
      %add3A_240 = arith.constant 32 : i32
      %add3A_241 = arith.addi %mul3A_239, %add3A_240 : i32
      %swap3A_242 = arith.index_cast %add3A_241 : i32 to index
      %swap3A_243 = tpu.vector_load %arg7[%swap3A_242] {strides = array<i32>} : memref<13312xi32, #tpu.memory_space<vmem>>, vector<16xi32>,
      %swap3A_244 = vector.shape_cast %swap3A_243 : vector<16xi32> to vector<16xi32>
      %swap3A_245 = vector.shape_cast %add3A_237 : vector<16xi32> to vector<16xi32>
      tpu.vector_store %arg7[%swap3A_242], %swap3A_245 {strides = array<i32>} : memref<13312xi32, #tpu.memory_space<vmem>>, vector<16xi32>,
      %get3A_246 = arith.index_cast %scan3A_188 : i32 to index
      %get3A_247 = arith.constant 48 : index
      %get3A_248 = tpu.vector_load %arg6[%get3A_246, %get3A_247] {strides = array<i32>} : memref<128x100xi32, #tpu.memory_space<vmem>>, vector<1x16xi32>,
      %get3A_249 = vector.shape_cast %get3A_248 : vector<1x16xi32> to vector<16xi32>
      %add3A_250 = arith.constant 48 : i32
      %add3A_251 = vector.broadcast %add3A_250 : i32 to vector<16xi32>
      %add3A_252 = arith.addi %iota3A, %add3A_251 : vector<16xi32>
      %mul3A_253 = arith.constant 1000 : i32
      %mul3A_254 = vector.broadcast %mul3A_253 : i32 to vector<16xi32>
      %mul3A_255 = arith.muli %add3A_252, %mul3A_254 : vector<16xi32>
      %add3A_256 = arith.addi %get3A_249, %mul3A_255 : vector<16xi32>
      %mul3A_257 = arith.constant 104 : i32
      %mul3A_258 = arith.muli %scan3A_188, %mul3A_257 : i32
      %add3A_259 = arith.constant 48 : i32
      %add3A_260 = arith.addi %mul3A_258, %add3A_259 : i32
      %swap3A_261 = arith.index_cast %add3A_260 : i32 to index
      %swap3A_262 = tpu.vector_load %arg7[%swap3A_261] {strides = array<i32>} : memref<13312xi32, #tpu.memory_space<vmem>>, vector<16xi32>,
      %swap3A_263 = vector.shape_cast %swap3A_262 : vector<16xi32> to vector<16xi32>
      %swap3A_264 = vector.shape_cast %add3A_256 : vector<16xi32> to vector<16xi32>
      tpu.vector_store %arg7[%swap3A_261], %swap3A_264 {strides = array<i32>} : memref<13312xi32, #tpu.memory_space<vmem>>, vector<16xi32>,
      %get3A_265 = arith.index_cast %scan3A_188 : i32 to index
      %get3A_266 = arith.constant 64 : index
      %get3A_267 = tpu.vector_load %arg6[%get3A_265, %get3A_266] {strides = array<i32>} : memref<128x100xi32, #tpu.memory_space<vmem>>, vector<1x16xi32>,
      %get3A_268 = vector.shape_cast %get3A_267 : vector<1x16xi32> to vector<16xi32>
      %add3A_269 = arith.constant 64 : i32
      %add3A_270 = vector.broadcast %add3A_269 : i32 to vector<16xi32>
      %add3A_271 = arith.addi %iota3A, %add3A_270 : vector<16xi32>
      %mul3A_272 = arith.constant 1000 : i32
      %mul3A_273 = vector.broadcast %mul3A_272 : i32 to vector<16xi32>
      %mul3A_274 = arith.muli %add3A_271, %mul3A_273 : vector<16xi32>
      %add3A_275 = arith.addi %get3A_268, %mul3A_274 : vector<16xi32>
      %mul3A_276 = arith.constant 104 : i32
      %mul3A_277 = arith.muli %scan3A_188, %mul3A_276 : i32
      %add3A_278 = arith.constant 64 : i32
      %add3A_279 = arith.addi %mul3A_277, %add3A_278 : i32
      %swap3A_280 = arith.index_cast %add3A_279 : i32 to index
      %swap3A_281 = tpu.vector_load %arg7[%swap3A_280] {strides = array<i32>} : memref<13312xi32, #tpu.memory_space<vmem>>, vector<16xi32>,
      %swap3A_282 = vector.shape_cast %swap3A_281 : vector<16xi32> to vector<16xi32>
      %swap3A_283 = vector.shape_cast %add3A_275 : vector<16xi32> to vector<16xi32>
      tpu.vector_store %arg7[%swap3A_280], %swap3A_283 {strides = array<i32>} : memref<13312xi32, #tpu.memory_space<vmem>>, vector<16xi32>,
      %get3A_284 = arith.index_cast %scan3A_188 : i32 to index
      %get3A_285 = arith.constant 80 : index
      %get3A_286 = tpu.vector_load %arg6[%get3A_284, %get3A_285] {strides = array<i32>} : memref<128x100xi32, #tpu.memory_space<vmem>>, vector<1x16xi32>,
      %get3A_287 = vector.shape_cast %get3A_286 : vector<1x16xi32> to vector<16xi32>
      %add3A_288 = arith.constant 80 : i32
      %add3A_289 = vector.broadcast %add3A_288 : i32 to vector<16xi32>
      %add3A_290 = arith.addi %iota3A, %add3A_289 : vector<16xi32>
      %mul3A_291 = arith.constant 1000 : i32
      %mul3A_292 = vector.broadcast %mul3A_291 : i32 to vector<16xi32>
      %mul3A_293 = arith.muli %add3A_290, %mul3A_292 : vector<16xi32>
      %add3A_294 = arith.addi %get3A_287, %mul3A_293 : vector<16xi32>
      %mul3A_295 = arith.constant 104 : i32
      %mul3A_296 = arith.muli %scan3A_188, %mul3A_295 : i32
      %add3A_297 = arith.constant 80 : i32
      %add3A_298 = arith.addi %mul3A_296, %add3A_297 : i32
      %swap3A_299 = arith.index_cast %add3A_298 : i32 to index
      %swap3A_300 = tpu.vector_load %arg7[%swap3A_299] {strides = array<i32>} : memref<13312xi32, #tpu.memory_space<vmem>>, vector<16xi32>,
      %swap3A_301 = vector.shape_cast %swap3A_300 : vector<16xi32> to vector<16xi32>
      %swap3A_302 = vector.shape_cast %add3A_294 : vector<16xi32> to vector<16xi32>
      tpu.vector_store %arg7[%swap3A_299], %swap3A_302 {strides = array<i32>} : memref<13312xi32, #tpu.memory_space<vmem>>, vector<16xi32>,
      %get3A_303 = arith.index_cast %scan3A_188 : i32 to index
      %get3A_304 = arith.constant 84 : index
      %get3A_305 = tpu.vector_load %arg6[%get3A_303, %get3A_304] {strides = array<i32>} : memref<128x100xi32, #tpu.memory_space<vmem>>, vector<1x16xi32>,
      %get3A_306 = vector.shape_cast %get3A_305 : vector<1x16xi32> to vector<16xi32>
      %add3A_307 = arith.constant 84 : i32
      %add3A_308 = vector.broadcast %add3A_307 : i32 to vector<16xi32>
      %add3A_309 = arith.addi %iota3A, %add3A_308 : vector<16xi32>
      %mul3A_310 = arith.constant 1000 : i32
      %mul3A_311 = vector.broadcast %mul3A_310 : i32 to vector<16xi32>
      %mul3A_312 = arith.muli %add3A_309, %mul3A_311 : vector<16xi32>
      %add3A_313 = arith.addi %get3A_306, %mul3A_312 : vector<16xi32>
      %mul3A_314 = arith.constant 104 : i32
      %mul3A_315 = arith.muli %scan3A_188, %mul3A_314 : i32
      %add3A_316 = arith.constant 84 : i32
      %add3A_317 = arith.addi %mul3A_315, %add3A_316 : i32
      %swap3A_318 = arith.index_cast %add3A_317 : i32 to index
      %swap3A_319 = tpu.vector_load %arg7[%swap3A_318] {strides = array<i32>} : memref<13312xi32, #tpu.memory_space<vmem>>, vector<16xi32>,
      %swap3A_320 = vector.shape_cast %swap3A_319 : vector<16xi32> to vector<16xi32>
      %swap3A_321 = vector.shape_cast %add3A_313 : vector<16xi32> to vector<16xi32>
      tpu.vector_store %arg7[%swap3A_318], %swap3A_321 {strides = array<i32>} : memref<13312xi32, #tpu.memory_space<vmem>>, vector<16xi32>,
    }
    %scan3A_7 = arith.constant 6 : i32
    %get3A = arith.constant 0 : index
    %get3A_8 = tpu.vector_load %arg15[%get3A] {strides = array<i32>} : memref<128xf32, #tpu.memory_space<vmem>>, vector<16xf32>,
    %get3A_9 = vector.shape_cast %get3A_8 : vector<16xf32> to vector<16xf32>
    %get3A_10 = arith.constant 16 : index
    %get3A_11 = tpu.vector_load %arg15[%get3A_10] {strides = array<i32>} : memref<128xf32, #tpu.memory_space<vmem>>, vector<16xf32>,
    %get3A_12 = vector.shape_cast %get3A_11 : vector<16xf32> to vector<16xf32>
    %get3A_13 = arith.constant 32 : index
    %get3A_14 = tpu.vector_load %arg15[%get3A_13] {strides = array<i32>} : memref<128xf32, #tpu.memory_space<vmem>>, vector<16xf32>,
    %get3A_15 = vector.shape_cast %get3A_14 : vector<16xf32> to vector<16xf32>
    %get3A_16 = arith.constant 48 : index
    %get3A_17 = tpu.vector_load %arg15[%get3A_16] {strides = array<i32>} : memref<128xf32, #tpu.memory_space<vmem>>, vector<16xf32>,
    %get3A_18 = vector.shape_cast %get3A_17 : vector<16xf32> to vector<16xf32>
    %get3A_19 = arith.constant 64 : index
    %get3A_20 = tpu.vector_load %arg15[%get3A_19] {strides = array<i32>} : memref<128xf32, #tpu.memory_space<vmem>>, vector<16xf32>,
    %get3A_21 = vector.shape_cast %get3A_20 : vector<16xf32> to vector<16xf32>
    %get3A_22 = arith.constant 80 : index
    %get3A_23 = tpu.vector_load %arg15[%get3A_22] {strides = array<i32>} : memref<128xf32, #tpu.memory_space<vmem>>, vector<16xf32>,
    %get3A_24 = vector.shape_cast %get3A_23 : vector<16xf32> to vector<16xf32>
    %get3A_25 = arith.constant 96 : index
    %get3A_26 = tpu.vector_load %arg15[%get3A_25] {strides = array<i32>} : memref<128xf32, #tpu.memory_space<vmem>>, vector<16xf32>,
    %get3A_27 = vector.shape_cast %get3A_26 : vector<16xf32> to vector<16xf32>
    %get3A_28 = arith.constant 112 : index
    %get3A_29 = tpu.vector_load %arg15[%get3A_28] {strides = array<i32>} : memref<128xf32, #tpu.memory_space<vmem>>, vector<16xf32>,
    %get3A_30 = vector.shape_cast %get3A_29 : vector<16xf32> to vector<16xf32>
    %dma_start3A = arith.constant 0 : i32
    %dma_start3A_31 = tpu.memref_slice %arg7[%dma_start3A] : memref<13312xi32, #tpu.memory_space<vmem>> -> memref<100xi32, #tpu.memory_space<vmem>>
    %dma_start3A_32 = arith.constant 0 : i32
    %dma_start3A_33 = arith.constant 0 : i32
    %dma_start3A_34 = tpu.memref_slice %arg3[%dma_start3A_32, %dma_start3A_33] : memref<100000x128xf32, #tpu.memory_space<hbm>> -> memref<100000x128xf32, #tpu.memory_space<hbm>>
    tpu.enqueue_indirect_dma source(%dma_start3A_34 : memref<100000x128xf32, #tpu.memory_space<hbm>>) target(%arg8 : memref<100x128xf32, #tpu.memory_space<vmem>>) offsets(%dma_start3A_31 : memref<100xi32, #tpu.memory_space<vmem>>) semaphore(%arg16 : memref<!tpu.dma_semaphore, #tpu.memory_space<semaphore_mem>>)
    %dma_start3A_35 = arith.constant 104 : i32
    %dma_start3A_36 = tpu.memref_slice %arg7[%dma_start3A_35] : memref<13312xi32, #tpu.memory_space<vmem>> -> memref<100xi32, #tpu.memory_space<vmem>>
    %dma_start3A_37 = arith.constant 0 : i32
    %dma_start3A_38 = arith.constant 0 : i32
    %dma_start3A_39 = tpu.memref_slice %arg3[%dma_start3A_37, %dma_start3A_38] : memref<100000x128xf32, #tpu.memory_space<hbm>> -> memref<100000x128xf32, #tpu.memory_space<hbm>>
    tpu.enqueue_indirect_dma source(%dma_start3A_39 : memref<100000x128xf32, #tpu.memory_space<hbm>>) target(%arg9 : memref<100x128xf32, #tpu.memory_space<vmem>>) offsets(%dma_start3A_36 : memref<100xi32, #tpu.memory_space<vmem>>) semaphore(%arg17 : memref<!tpu.dma_semaphore, #tpu.memory_space<semaphore_mem>>)
    %dma_start3A_40 = arith.constant 208 : i32
    %dma_start3A_41 = tpu.memref_slice %arg7[%dma_start3A_40] : memref<13312xi32, #tpu.memory_space<vmem>> -> memref<100xi32, #tpu.memory_space<vmem>>
    %dma_start3A_42 = arith.constant 0 : i32
    %dma_start3A_43 = arith.constant 0 : i32
    %dma_start3A_44 = tpu.memref_slice %arg3[%dma_start3A_42, %dma_start3A_43] : memref<100000x128xf32, #tpu.memory_space<hbm>> -> memref<100000x128xf32, #tpu.memory_space<hbm>>
    tpu.enqueue_indirect_dma source(%dma_start3A_44 : memref<100000x128xf32, #tpu.memory_space<hbm>>) target(%arg10 : memref<100x128xf32, #tpu.memory_space<vmem>>) offsets(%dma_start3A_41 : memref<100xi32, #tpu.memory_space<vmem>>) semaphore(%arg18 : memref<!tpu.dma_semaphore, #tpu.memory_space<semaphore_mem>>)
    %dma_start3A_45 = arith.constant 312 : i32
    %dma_start3A_46 = tpu.memref_slice %arg7[%dma_start3A_45] : memref<13312xi32, #tpu.memory_space<vmem>> -> memref<100xi32, #tpu.memory_space<vmem>>
    %dma_start3A_47 = arith.constant 0 : i32
    %dma_start3A_48 = arith.constant 0 : i32
    %dma_start3A_49 = tpu.memref_slice %arg3[%dma_start3A_47, %dma_start3A_48] : memref<100000x128xf32, #tpu.memory_space<hbm>> -> memref<100000x128xf32, #tpu.memory_space<hbm>>
    tpu.enqueue_indirect_dma source(%dma_start3A_49 : memref<100000x128xf32, #tpu.memory_space<hbm>>) target(%arg11 : memref<100x128xf32, #tpu.memory_space<vmem>>) offsets(%dma_start3A_46 : memref<100xi32, #tpu.memory_space<vmem>>) semaphore(%arg19 : memref<!tpu.dma_semaphore, #tpu.memory_space<semaphore_mem>>)
    %dma_start3A_50 = arith.constant 416 : i32
    %dma_start3A_51 = tpu.memref_slice %arg7[%dma_start3A_50] : memref<13312xi32, #tpu.memory_space<vmem>> -> memref<100xi32, #tpu.memory_space<vmem>>
    %dma_start3A_52 = arith.constant 0 : i32
    %dma_start3A_53 = arith.constant 0 : i32
    %dma_start3A_54 = tpu.memref_slice %arg3[%dma_start3A_52, %dma_start3A_53] : memref<100000x128xf32, #tpu.memory_space<hbm>> -> memref<100000x128xf32, #tpu.memory_space<hbm>>
    tpu.enqueue_indirect_dma source(%dma_start3A_54 : memref<100000x128xf32, #tpu.memory_space<hbm>>) target(%arg12 : memref<100x128xf32, #tpu.memory_space<vmem>>) offsets(%dma_start3A_51 : memref<100xi32, #tpu.memory_space<vmem>>) semaphore(%arg20 : memref<!tpu.dma_semaphore, #tpu.memory_space<semaphore_mem>>)
    %dma_start3A_55 = arith.constant 520 : i32
    %dma_start3A_56 = tpu.memref_slice %arg7[%dma_start3A_55] : memref<13312xi32, #tpu.memory_space<vmem>> -> memref<100xi32, #tpu.memory_space<vmem>>
    %dma_start3A_57 = arith.constant 0 : i32
    %dma_start3A_58 = arith.constant 0 : i32
    %dma_start3A_59 = tpu.memref_slice %arg3[%dma_start3A_57, %dma_start3A_58] : memref<100000x128xf32, #tpu.memory_space<hbm>> -> memref<100000x128xf32, #tpu.memory_space<hbm>>
    tpu.enqueue_indirect_dma source(%dma_start3A_59 : memref<100000x128xf32, #tpu.memory_space<hbm>>) target(%arg13 : memref<100x128xf32, #tpu.memory_space<vmem>>) offsets(%dma_start3A_56 : memref<100xi32, #tpu.memory_space<vmem>>) semaphore(%arg21 : memref<!tpu.dma_semaphore, #tpu.memory_space<semaphore_mem>>)
    %scan3A_60 = arith.constant 0 : i32
    %scan3A_61 = arith.constant 6 : i32
    %scan3A_62 = arith.constant 122 : i32
    %scan3A_63 = arith.addi %scan3A_61, %scan3A_62 : i32
    %scan3A_64 = arith.constant 1 : i32
    scf.for %scan3A_188 = %scan3A_61 to %scan3A_63 step %scan3A_64  : i32 {
      %get3A_189 = arith.index_cast %scan3A_188 : i32 to index
      %get3A_190 = arith.constant 0 : index
      %get3A_191 = tpu.vector_load %arg6[%get3A_189, %get3A_190] {strides = array<i32>} : memref<128x100xi32, #tpu.memory_space<vmem>>, vector<1x16xi32>,
      %get3A_192 = vector.shape_cast %get3A_191 : vector<1x16xi32> to vector<16xi32>
      %add3A_193 = arith.constant 0 : i32
      %add3A_194 = vector.broadcast %add3A_193 : i32 to vector<16xi32>
      %add3A_195 = arith.addi %iota3A, %add3A_194 : vector<16xi32>
      %mul3A_196 = arith.constant 1000 : i32
      %mul3A_197 = vector.broadcast %mul3A_196 : i32 to vector<16xi32>
      %mul3A_198 = arith.muli %add3A_195, %mul3A_197 : vector<16xi32>
      %add3A_199 = arith.addi %get3A_192, %mul3A_198 : vector<16xi32>
      %mul3A_200 = arith.constant 104 : i32
      %mul3A_201 = arith.muli %scan3A_188, %mul3A_200 : i32
      %add3A_202 = arith.constant 0 : i32
      %add3A_203 = arith.addi %mul3A_201, %add3A_202 : i32
      %swap3A_204 = arith.index_cast %add3A_203 : i32 to index
      %swap3A_205 = tpu.vector_load %arg7[%swap3A_204] {strides = array<i32>} : memref<13312xi32, #tpu.memory_space<vmem>>, vector<16xi32>,
      %swap3A_206 = vector.shape_cast %swap3A_205 : vector<16xi32> to vector<16xi32>
      %swap3A_207 = vector.shape_cast %add3A_199 : vector<16xi32> to vector<16xi32>
      tpu.vector_store %arg7[%swap3A_204], %swap3A_207 {strides = array<i32>} : memref<13312xi32, #tpu.memory_space<vmem>>, vector<16xi32>,
      %get3A_208 = arith.index_cast %scan3A_188 : i32 to index
      %get3A_209 = arith.constant 16 : index
      %get3A_210 = tpu.vector_load %arg6[%get3A_208, %get3A_209] {strides = array<i32>} : memref<128x100xi32, #tpu.memory_space<vmem>>, vector<1x16xi32>,
      %get3A_211 = vector.shape_cast %get3A_210 : vector<1x16xi32> to vector<16xi32>
      %add3A_212 = arith.constant 16 : i32
      %add3A_213 = vector.broadcast %add3A_212 : i32 to vector<16xi32>
      %add3A_214 = arith.addi %iota3A, %add3A_213 : vector<16xi32>
      %mul3A_215 = arith.constant 1000 : i32
      %mul3A_216 = vector.broadcast %mul3A_215 : i32 to vector<16xi32>
      %mul3A_217 = arith.muli %add3A_214, %mul3A_216 : vector<16xi32>
      %add3A_218 = arith.addi %get3A_211, %mul3A_217 : vector<16xi32>
      %mul3A_219 = arith.constant 104 : i32
      %mul3A_220 = arith.muli %scan3A_188, %mul3A_219 : i32
      %add3A_221 = arith.constant 16 : i32
      %add3A_222 = arith.addi %mul3A_220, %add3A_221 : i32
      %swap3A_223 = arith.index_cast %add3A_222 : i32 to index
      %swap3A_224 = tpu.vector_load %arg7[%swap3A_223] {strides = array<i32>} : memref<13312xi32, #tpu.memory_space<vmem>>, vector<16xi32>,
      %swap3A_225 = vector.shape_cast %swap3A_224 : vector<16xi32> to vector<16xi32>
      %swap3A_226 = vector.shape_cast %add3A_218 : vector<16xi32> to vector<16xi32>
      tpu.vector_store %arg7[%swap3A_223], %swap3A_226 {strides = array<i32>} : memref<13312xi32, #tpu.memory_space<vmem>>, vector<16xi32>,
      %get3A_227 = arith.index_cast %scan3A_188 : i32 to index
      %get3A_228 = arith.constant 32 : index
      %get3A_229 = tpu.vector_load %arg6[%get3A_227, %get3A_228] {strides = array<i32>} : memref<128x100xi32, #tpu.memory_space<vmem>>, vector<1x16xi32>,
      %get3A_230 = vector.shape_cast %get3A_229 : vector<1x16xi32> to vector<16xi32>
      %add3A_231 = arith.constant 32 : i32
      %add3A_232 = vector.broadcast %add3A_231 : i32 to vector<16xi32>
      %add3A_233 = arith.addi %iota3A, %add3A_232 : vector<16xi32>
      %mul3A_234 = arith.constant 1000 : i32
      %mul3A_235 = vector.broadcast %mul3A_234 : i32 to vector<16xi32>
      %mul3A_236 = arith.muli %add3A_233, %mul3A_235 : vector<16xi32>
      %add3A_237 = arith.addi %get3A_230, %mul3A_236 : vector<16xi32>
      %mul3A_238 = arith.constant 104 : i32
      %mul3A_239 = arith.muli %scan3A_188, %mul3A_238 : i32
      %add3A_240 = arith.constant 32 : i32
      %add3A_241 = arith.addi %mul3A_239, %add3A_240 : i32
      %swap3A_242 = arith.index_cast %add3A_241 : i32 to index
      %swap3A_243 = tpu.vector_load %arg7[%swap3A_242] {strides = array<i32>} : memref<13312xi32, #tpu.memory_space<vmem>>, vector<16xi32>,
      %swap3A_244 = vector.shape_cast %swap3A_243 : vector<16xi32> to vector<16xi32>
      %swap3A_245 = vector.shape_cast %add3A_237 : vector<16xi32> to vector<16xi32>
      tpu.vector_store %arg7[%swap3A_242], %swap3A_245 {strides = array<i32>} : memref<13312xi32, #tpu.memory_space<vmem>>, vector<16xi32>,
      %get3A_246 = arith.index_cast %scan3A_188 : i32 to index
      %get3A_247 = arith.constant 48 : index
      %get3A_248 = tpu.vector_load %arg6[%get3A_246, %get3A_247] {strides = array<i32>} : memref<128x100xi32, #tpu.memory_space<vmem>>, vector<1x16xi32>,
      %get3A_249 = vector.shape_cast %get3A_248 : vector<1x16xi32> to vector<16xi32>
      %add3A_250 = arith.constant 48 : i32
      %add3A_251 = vector.broadcast %add3A_250 : i32 to vector<16xi32>
      %add3A_252 = arith.addi %iota3A, %add3A_251 : vector<16xi32>
      %mul3A_253 = arith.constant 1000 : i32
      %mul3A_254 = vector.broadcast %mul3A_253 : i32 to vector<16xi32>
      %mul3A_255 = arith.muli %add3A_252, %mul3A_254 : vector<16xi32>
      %add3A_256 = arith.addi %get3A_249, %mul3A_255 : vector<16xi32>
      %mul3A_257 = arith.constant 104 : i32
      %mul3A_258 = arith.muli %scan3A_188, %mul3A_257 : i32
      %add3A_259 = arith.constant 48 : i32
      %add3A_260 = arith.addi %mul3A_258, %add3A_259 : i32
      %swap3A_261 = arith.index_cast %add3A_260 : i32 to index
      %swap3A_262 = tpu.vector_load %arg7[%swap3A_261] {strides = array<i32>} : memref<13312xi32, #tpu.memory_space<vmem>>, vector<16xi32>,
      %swap3A_263 = vector.shape_cast %swap3A_262 : vector<16xi32> to vector<16xi32>
      %swap3A_264 = vector.shape_cast %add3A_256 : vector<16xi32> to vector<16xi32>
      tpu.vector_store %arg7[%swap3A_261], %swap3A_264 {strides = array<i32>} : memref<13312xi32, #tpu.memory_space<vmem>>, vector<16xi32>,
      %get3A_265 = arith.index_cast %scan3A_188 : i32 to index
      %get3A_266 = arith.constant 64 : index
      %get3A_267 = tpu.vector_load %arg6[%get3A_265, %get3A_266] {strides = array<i32>} : memref<128x100xi32, #tpu.memory_space<vmem>>, vector<1x16xi32>,
      %get3A_268 = vector.shape_cast %get3A_267 : vector<1x16xi32> to vector<16xi32>
      %add3A_269 = arith.constant 64 : i32
      %add3A_270 = vector.broadcast %add3A_269 : i32 to vector<16xi32>
      %add3A_271 = arith.addi %iota3A, %add3A_270 : vector<16xi32>
      %mul3A_272 = arith.constant 1000 : i32
      %mul3A_273 = vector.broadcast %mul3A_272 : i32 to vector<16xi32>
      %mul3A_274 = arith.muli %add3A_271, %mul3A_273 : vector<16xi32>
      %add3A_275 = arith.addi %get3A_268, %mul3A_274 : vector<16xi32>
      %mul3A_276 = arith.constant 104 : i32
      %mul3A_277 = arith.muli %scan3A_188, %mul3A_276 : i32
      %add3A_278 = arith.constant 64 : i32
      %add3A_279 = arith.addi %mul3A_277, %add3A_278 : i32
      %swap3A_280 = arith.index_cast %add3A_279 : i32 to index
      %swap3A_281 = tpu.vector_load %arg7[%swap3A_280] {strides = array<i32>} : memref<13312xi32, #tpu.memory_space<vmem>>, vector<16xi32>,
      %swap3A_282 = vector.shape_cast %swap3A_281 : vector<16xi32> to vector<16xi32>
      %swap3A_283 = vector.shape_cast %add3A_275 : vector<16xi32> to vector<16xi32>
      tpu.vector_store %arg7[%swap3A_280], %swap3A_283 {strides = array<i32>} : memref<13312xi32, #tpu.memory_space<vmem>>, vector<16xi32>,
      %get3A_284 = arith.index_cast %scan3A_188 : i32 to index
      %get3A_285 = arith.constant 80 : index
      %get3A_286 = tpu.vector_load %arg6[%get3A_284, %get3A_285] {strides = array<i32>} : memref<128x100xi32, #tpu.memory_space<vmem>>, vector<1x16xi32>,
      %get3A_287 = vector.shape_cast %get3A_286 : vector<1x16xi32> to vector<16xi32>
      %add3A_288 = arith.constant 80 : i32
      %add3A_289 = vector.broadcast %add3A_288 : i32 to vector<16xi32>
      %add3A_290 = arith.addi %iota3A, %add3A_289 : vector<16xi32>
      %mul3A_291 = arith.constant 1000 : i32
      %mul3A_292 = vector.broadcast %mul3A_291 : i32 to vector<16xi32>
      %mul3A_293 = arith.muli %add3A_290, %mul3A_292 : vector<16xi32>
      %add3A_294 = arith.addi %get3A_287, %mul3A_293 : vector<16xi32>
      %mul3A_295 = arith.constant 104 : i32
      %mul3A_296 = arith.muli %scan3A_188, %mul3A_295 : i32
      %add3A_297 = arith.constant 80 : i32
      %add3A_298 = arith.addi %mul3A_296, %add3A_297 : i32
      %swap3A_299 = arith.index_cast %add3A_298 : i32 to index
      %swap3A_300 = tpu.vector_load %arg7[%swap3A_299] {strides = array<i32>} : memref<13312xi32, #tpu.memory_space<vmem>>, vector<16xi32>,
      %swap3A_301 = vector.shape_cast %swap3A_300 : vector<16xi32> to vector<16xi32>
      %swap3A_302 = vector.shape_cast %add3A_294 : vector<16xi32> to vector<16xi32>
      tpu.vector_store %arg7[%swap3A_299], %swap3A_302 {strides = array<i32>} : memref<13312xi32, #tpu.memory_space<vmem>>, vector<16xi32>,
      %get3A_303 = arith.index_cast %scan3A_188 : i32 to index
      %get3A_304 = arith.constant 84 : index
      %get3A_305 = tpu.vector_load %arg6[%get3A_303, %get3A_304] {strides = array<i32>} : memref<128x100xi32, #tpu.memory_space<vmem>>, vector<1x16xi32>,
      %get3A_306 = vector.shape_cast %get3A_305 : vector<1x16xi32> to vector<16xi32>
      %add3A_307 = arith.constant 84 : i32
      %add3A_308 = vector.broadcast %add3A_307 : i32 to vector<16xi32>
      %add3A_309 = arith.addi %iota3A, %add3A_308 : vector<16xi32>
      %mul3A_310 = arith.constant 1000 : i32
      %mul3A_311 = vector.broadcast %mul3A_310 : i32 to vector<16xi32>
      %mul3A_312 = arith.muli %add3A_309, %mul3A_311 : vector<16xi32>
      %add3A_313 = arith.addi %get3A_306, %mul3A_312 : vector<16xi32>
      %mul3A_314 = arith.constant 104 : i32
      %mul3A_315 = arith.muli %scan3A_188, %mul3A_314 : i32
      %add3A_316 = arith.constant 84 : i32
      %add3A_317 = arith.addi %mul3A_315, %add3A_316 : i32
      %swap3A_318 = arith.index_cast %add3A_317 : i32 to index
      %swap3A_319 = tpu.vector_load %arg7[%swap3A_318] {strides = array<i32>} : memref<13312xi32, #tpu.memory_space<vmem>>, vector<16xi32>,
      %swap3A_320 = vector.shape_cast %swap3A_319 : vector<16xi32> to vector<16xi32>
      %swap3A_321 = vector.shape_cast %add3A_313 : vector<16xi32> to vector<16xi32>
      tpu.vector_store %arg7[%swap3A_318], %swap3A_321 {strides = array<i32>} : memref<13312xi32, #tpu.memory_space<vmem>>, vector<16xi32>,
    }
    %scan3A_65 = arith.constant 122 : i32
    %scan3A_66 = arith.constant 0 : i32
    %scan3A_67 = arith.constant 0 : i32
    %scan3A_68 = arith.constant 21 : i32
    %scan3A_69 = arith.addi %scan3A_67, %scan3A_68 : i32
    %scan3A_70 = arith.constant 1 : i32
    scf.for %scan3A_188 = %scan3A_67 to %scan3A_69 step %scan3A_70  : i32 {
      %mul3A_189 = arith.constant 6 : i32
      %mul3A_190 = arith.muli %mul3A_189, %scan3A_188 : i32
      %add3A_191 = arith.constant 0 : i32
      %add3A_192 = arith.addi %mul3A_190, %add3A_191 : i32
      %dma_wait3A_193 = arith.constant 0 : i32
      %dma_wait3A_194 = tpu.memref_slice %arg7[%dma_wait3A_193] : memref<13312xi32, #tpu.memory_space<vmem>> -> memref<100xi32, #tpu.memory_space<vmem>>
      %dma_wait3A_195 = arith.constant 0 : i32
      %dma_wait3A_196 = arith.constant 0 : i32
      %dma_wait3A_197 = tpu.memref_slice %arg3[%dma_wait3A_195, %dma_wait3A_196] : memref<100000x128xf32, #tpu.memory_space<hbm>> -> memref<100000x128xf32, #tpu.memory_space<hbm>>
      tpu.wait_indirect_dma semaphore(%arg16 : memref<!tpu.dma_semaphore, #tpu.memory_space<semaphore_mem>>) src(%dma_wait3A_197 : memref<100000x128xf32, #tpu.memory_space<hbm>>) dst(%arg8 : memref<100x128xf32, #tpu.memory_space<vmem>>)
      %scan3A_198 = arith.constant 0 : i32
      %scan3A_199 = arith.constant 100 : i32
      %scan3A_200 = arith.addi %scan3A_198, %scan3A_199 : i32
      %scan3A_201 = arith.constant 2 : i32
      %scan3A_202:8 = scf.for %scan3A_558 = %scan3A_198 to %scan3A_200 step %scan3A_201 iter_args(%scan3A_559 = %get3A_9, %scan3A_560 = %get3A_12, %scan3A_561 = %get3A_15, %scan3A_562 = %get3A_18, %scan3A_563 = %get3A_21, %scan3A_564 = %get3A_24, %scan3A_565 = %get3A_27, %scan3A_566 = %get3A_30) -> (vector<16xf32>, vector<16xf32>, vector<16xf32>, vector<16xf32>, vector<16xf32>, vector<16xf32>, vector<16xf32>, vector<16xf32>)  : i32 {
        %get3A_567 = arith.index_cast %scan3A_558 : i32 to index
        %get3A_568 = arith.constant 0 : index
        %get3A_569 = tpu.vector_load %arg8[%get3A_567, %get3A_568] {strides = array<i32>} : memref<100x128xf32, #tpu.memory_space<vmem>>, vector<1x16xf32>,
        %get3A_570 = vector.shape_cast %get3A_569 : vector<1x16xf32> to vector<16xf32>
        %add3A_571 = arith.addf %scan3A_559, %get3A_570 : vector<16xf32>
        %get3A_572 = arith.index_cast %scan3A_558 : i32 to index
        %get3A_573 = arith.constant 16 : index
        %get3A_574 = tpu.vector_load %arg8[%get3A_572, %get3A_573] {strides = array<i32>} : memref<100x128xf32, #tpu.memory_space<vmem>>, vector<1x16xf32>,
        %get3A_575 = vector.shape_cast %get3A_574 : vector<1x16xf32> to vector<16xf32>
        %add3A_576 = arith.addf %scan3A_560, %get3A_575 : vector<16xf32>
        %get3A_577 = arith.index_cast %scan3A_558 : i32 to index
        %get3A_578 = arith.constant 32 : index
        %get3A_579 = tpu.vector_load %arg8[%get3A_577, %get3A_578] {strides = array<i32>} : memref<100x128xf32, #tpu.memory_space<vmem>>, vector<1x16xf32>,
        %get3A_580 = vector.shape_cast %get3A_579 : vector<1x16xf32> to vector<16xf32>
        %add3A_581 = arith.addf %scan3A_561, %get3A_580 : vector<16xf32>
        %get3A_582 = arith.index_cast %scan3A_558 : i32 to index
        %get3A_583 = arith.constant 48 : index
        %get3A_584 = tpu.vector_load %arg8[%get3A_582, %get3A_583] {strides = array<i32>} : memref<100x128xf32, #tpu.memory_space<vmem>>, vector<1x16xf32>,
        %get3A_585 = vector.shape_cast %get3A_584 : vector<1x16xf32> to vector<16xf32>
        %add3A_586 = arith.addf %scan3A_562, %get3A_585 : vector<16xf32>
        %get3A_587 = arith.index_cast %scan3A_558 : i32 to index
        %get3A_588 = arith.constant 64 : index
        %get3A_589 = tpu.vector_load %arg8[%get3A_587, %get3A_588] {strides = array<i32>} : memref<100x128xf32, #tpu.memory_space<vmem>>, vector<1x16xf32>,
        %get3A_590 = vector.shape_cast %get3A_589 : vector<1x16xf32> to vector<16xf32>
        %add3A_591 = arith.addf %scan3A_563, %get3A_590 : vector<16xf32>
        %get3A_592 = arith.index_cast %scan3A_558 : i32 to index
        %get3A_593 = arith.constant 80 : index
        %get3A_594 = tpu.vector_load %arg8[%get3A_592, %get3A_593] {strides = array<i32>} : memref<100x128xf32, #tpu.memory_space<vmem>>, vector<1x16xf32>,
        %get3A_595 = vector.shape_cast %get3A_594 : vector<1x16xf32> to vector<16xf32>
        %add3A_596 = arith.addf %scan3A_564, %get3A_595 : vector<16xf32>
        %get3A_597 = arith.index_cast %scan3A_558 : i32 to index
        %get3A_598 = arith.constant 96 : index
        %get3A_599 = tpu.vector_load %arg8[%get3A_597, %get3A_598] {strides = array<i32>} : memref<100x128xf32, #tpu.memory_space<vmem>>, vector<1x16xf32>,
        %get3A_600 = vector.shape_cast %get3A_599 : vector<1x16xf32> to vector<16xf32>
        %add3A_601 = arith.addf %scan3A_565, %get3A_600 : vector<16xf32>
        %get3A_602 = arith.index_cast %scan3A_558 : i32 to index
        %get3A_603 = arith.constant 112 : index
        %get3A_604 = tpu.vector_load %arg8[%get3A_602, %get3A_603] {strides = array<i32>} : memref<100x128xf32, #tpu.memory_space<vmem>>, vector<1x16xf32>,
        %get3A_605 = vector.shape_cast %get3A_604 : vector<1x16xf32> to vector<16xf32>
        %add3A_606 = arith.addf %scan3A_566, %get3A_605 : vector<16xf32>
        %scan3A_607 = arith.constant 1 : i32
        %scan3A_608 = arith.addi %scan3A_558, %scan3A_607 : i32
        %get3A_609 = arith.index_cast %scan3A_608 : i32 to index
        %get3A_610 = arith.constant 0 : index
        %get3A_611 = tpu.vector_load %arg8[%get3A_609, %get3A_610] {strides = array<i32>} : memref<100x128xf32, #tpu.memory_space<vmem>>, vector<1x16xf32>,
        %get3A_612 = vector.shape_cast %get3A_611 : vector<1x16xf32> to vector<16xf32>
        %add3A_613 = arith.addf %add3A_571, %get3A_612 : vector<16xf32>
        %get3A_614 = arith.index_cast %scan3A_608 : i32 to index
        %get3A_615 = arith.constant 16 : index
        %get3A_616 = tpu.vector_load %arg8[%get3A_614, %get3A_615] {strides = array<i32>} : memref<100x128xf32, #tpu.memory_space<vmem>>, vector<1x16xf32>,
        %get3A_617 = vector.shape_cast %get3A_616 : vector<1x16xf32> to vector<16xf32>
        %add3A_618 = arith.addf %add3A_576, %get3A_617 : vector<16xf32>
        %get3A_619 = arith.index_cast %scan3A_608 : i32 to index
        %get3A_620 = arith.constant 32 : index
        %get3A_621 = tpu.vector_load %arg8[%get3A_619, %get3A_620] {strides = array<i32>} : memref<100x128xf32, #tpu.memory_space<vmem>>, vector<1x16xf32>,
        %get3A_622 = vector.shape_cast %get3A_621 : vector<1x16xf32> to vector<16xf32>
        %add3A_623 = arith.addf %add3A_581, %get3A_622 : vector<16xf32>
        %get3A_624 = arith.index_cast %scan3A_608 : i32 to index
        %get3A_625 = arith.constant 48 : index
        %get3A_626 = tpu.vector_load %arg8[%get3A_624, %get3A_625] {strides = array<i32>} : memref<100x128xf32, #tpu.memory_space<vmem>>, vector<1x16xf32>,
        %get3A_627 = vector.shape_cast %get3A_626 : vector<1x16xf32> to vector<16xf32>
        %add3A_628 = arith.addf %add3A_586, %get3A_627 : vector<16xf32>
        %get3A_629 = arith.index_cast %scan3A_608 : i32 to index
        %get3A_630 = arith.constant 64 : index
        %get3A_631 = tpu.vector_load %arg8[%get3A_629, %get3A_630] {strides = array<i32>} : memref<100x128xf32, #tpu.memory_space<vmem>>, vector<1x16xf32>,
        %get3A_632 = vector.shape_cast %get3A_631 : vector<1x16xf32> to vector<16xf32>
        %add3A_633 = arith.addf %add3A_591, %get3A_632 : vector<16xf32>
        %get3A_634 = arith.index_cast %scan3A_608 : i32 to index
        %get3A_635 = arith.constant 80 : index
        %get3A_636 = tpu.vector_load %arg8[%get3A_634, %get3A_635] {strides = array<i32>} : memref<100x128xf32, #tpu.memory_space<vmem>>, vector<1x16xf32>,
        %get3A_637 = vector.shape_cast %get3A_636 : vector<1x16xf32> to vector<16xf32>
        %add3A_638 = arith.addf %add3A_596, %get3A_637 : vector<16xf32>
        %get3A_639 = arith.index_cast %scan3A_608 : i32 to index
        %get3A_640 = arith.constant 96 : index
        %get3A_641 = tpu.vector_load %arg8[%get3A_639, %get3A_640] {strides = array<i32>} : memref<100x128xf32, #tpu.memory_space<vmem>>, vector<1x16xf32>,
        %get3A_642 = vector.shape_cast %get3A_641 : vector<1x16xf32> to vector<16xf32>
        %add3A_643 = arith.addf %add3A_601, %get3A_642 : vector<16xf32>
        %get3A_644 = arith.index_cast %scan3A_608 : i32 to index
        %get3A_645 = arith.constant 112 : index
        %get3A_646 = tpu.vector_load %arg8[%get3A_644, %get3A_645] {strides = array<i32>} : memref<100x128xf32, #tpu.memory_space<vmem>>, vector<1x16xf32>,
        %get3A_647 = vector.shape_cast %get3A_646 : vector<1x16xf32> to vector<16xf32>
        %add3A_648 = arith.addf %add3A_606, %get3A_647 : vector<16xf32>
        scf.yield %add3A_613, %add3A_618, %add3A_623, %add3A_628, %add3A_633, %add3A_638, %add3A_643, %add3A_648 : vector<16xf32>, vector<16xf32>, vector<16xf32>, vector<16xf32>, vector<16xf32>, vector<16xf32>, vector<16xf32>, vector<16xf32>
      }
      %scan3A_203 = arith.constant 100 : i32
      %swap3A_204 = arith.index_cast %add3A_192 : i32 to index
      %swap3A_205 = arith.constant 0 : index
      %swap3A_206 = tpu.vector_load %arg14[%swap3A_204, %swap3A_205] {strides = array<i32>} : memref<128x128xf32, #tpu.memory_space<vmem>>, vector<1x16xf32>,
      %swap3A_207 = vector.shape_cast %swap3A_206 : vector<1x16xf32> to vector<16xf32>
      %swap3A_208 = vector.shape_cast %scan3A_202#0 : vector<16xf32> to vector<1x16xf32>
      tpu.vector_store %arg14[%swap3A_204, %swap3A_205], %swap3A_208 {strides = array<i32>} : memref<128x128xf32, #tpu.memory_space<vmem>>, vector<1x16xf32>,
      %swap3A_209 = arith.index_cast %add3A_192 : i32 to index
      %swap3A_210 = arith.constant 16 : index
      %swap3A_211 = tpu.vector_load %arg14[%swap3A_209, %swap3A_210] {strides = array<i32>} : memref<128x128xf32, #tpu.memory_space<vmem>>, vector<1x16xf32>,
      %swap3A_212 = vector.shape_cast %swap3A_211 : vector<1x16xf32> to vector<16xf32>
      %swap3A_213 = vector.shape_cast %scan3A_202#1 : vector<16xf32> to vector<1x16xf32>
      tpu.vector_store %arg14[%swap3A_209, %swap3A_210], %swap3A_213 {strides = array<i32>} : memref<128x128xf32, #tpu.memory_space<vmem>>, vector<1x16xf32>,
      %swap3A_214 = arith.index_cast %add3A_192 : i32 to index
      %swap3A_215 = arith.constant 32 : index
      %swap3A_216 = tpu.vector_load %arg14[%swap3A_214, %swap3A_215] {strides = array<i32>} : memref<128x128xf32, #tpu.memory_space<vmem>>, vector<1x16xf32>,
      %swap3A_217 = vector.shape_cast %swap3A_216 : vector<1x16xf32> to vector<16xf32>
      %swap3A_218 = vector.shape_cast %scan3A_202#2 : vector<16xf32> to vector<1x16xf32>
      tpu.vector_store %arg14[%swap3A_214, %swap3A_215], %swap3A_218 {strides = array<i32>} : memref<128x128xf32, #tpu.memory_space<vmem>>, vector<1x16xf32>,
      %swap3A_219 = arith.index_cast %add3A_192 : i32 to index
      %swap3A_220 = arith.constant 48 : index
      %swap3A_221 = tpu.vector_load %arg14[%swap3A_219, %swap3A_220] {strides = array<i32>} : memref<128x128xf32, #tpu.memory_space<vmem>>, vector<1x16xf32>,
      %swap3A_222 = vector.shape_cast %swap3A_221 : vector<1x16xf32> to vector<16xf32>
      %swap3A_223 = vector.shape_cast %scan3A_202#3 : vector<16xf32> to vector<1x16xf32>
      tpu.vector_store %arg14[%swap3A_219, %swap3A_220], %swap3A_223 {strides = array<i32>} : memref<128x128xf32, #tpu.memory_space<vmem>>, vector<1x16xf32>,
      %swap3A_224 = arith.index_cast %add3A_192 : i32 to index
      %swap3A_225 = arith.constant 64 : index
      %swap3A_226 = tpu.vector_load %arg14[%swap3A_224, %swap3A_225] {strides = array<i32>} : memref<128x128xf32, #tpu.memory_space<vmem>>, vector<1x16xf32>,
      %swap3A_227 = vector.shape_cast %swap3A_226 : vector<1x16xf32> to vector<16xf32>
      %swap3A_228 = vector.shape_cast %scan3A_202#4 : vector<16xf32> to vector<1x16xf32>
      tpu.vector_store %arg14[%swap3A_224, %swap3A_225], %swap3A_228 {strides = array<i32>} : memref<128x128xf32, #tpu.memory_space<vmem>>, vector<1x16xf32>,
      %swap3A_229 = arith.index_cast %add3A_192 : i32 to index
      %swap3A_230 = arith.constant 80 : index
      %swap3A_231 = tpu.vector_load %arg14[%swap3A_229, %swap3A_230] {strides = array<i32>} : memref<128x128xf32, #tpu.memory_space<vmem>>, vector<1x16xf32>,
      %swap3A_232 = vector.shape_cast %swap3A_231 : vector<1x16xf32> to vector<16xf32>
      %swap3A_233 = vector.shape_cast %scan3A_202#5 : vector<16xf32> to vector<1x16xf32>
      tpu.vector_store %arg14[%swap3A_229, %swap3A_230], %swap3A_233 {strides = array<i32>} : memref<128x128xf32, #tpu.memory_space<vmem>>, vector<1x16xf32>,
      %swap3A_234 = arith.index_cast %add3A_192 : i32 to index
      %swap3A_235 = arith.constant 96 : index
      %swap3A_236 = tpu.vector_load %arg14[%swap3A_234, %swap3A_235] {strides = array<i32>} : memref<128x128xf32, #tpu.memory_space<vmem>>, vector<1x16xf32>,
      %swap3A_237 = vector.shape_cast %swap3A_236 : vector<1x16xf32> to vector<16xf32>
      %swap3A_238 = vector.shape_cast %scan3A_202#6 : vector<16xf32> to vector<1x16xf32>
      tpu.vector_store %arg14[%swap3A_234, %swap3A_235], %swap3A_238 {strides = array<i32>} : memref<128x128xf32, #tpu.memory_space<vmem>>, vector<1x16xf32>,
      %swap3A_239 = arith.index_cast %add3A_192 : i32 to index
      %swap3A_240 = arith.constant 112 : index
      %swap3A_241 = tpu.vector_load %arg14[%swap3A_239, %swap3A_240] {strides = array<i32>} : memref<128x128xf32, #tpu.memory_space<vmem>>, vector<1x16xf32>,
      %swap3A_242 = vector.shape_cast %swap3A_241 : vector<1x16xf32> to vector<16xf32>
      %swap3A_243 = vector.shape_cast %scan3A_202#7 : vector<16xf32> to vector<1x16xf32>
      tpu.vector_store %arg14[%swap3A_239, %swap3A_240], %swap3A_243 {strides = array<i32>} : memref<128x128xf32, #tpu.memory_space<vmem>>, vector<1x16xf32>,
      %add3A_244 = arith.constant 6 : i32
      %add3A_245 = arith.addi %add3A_192, %add3A_244 : i32
      %lt3A = arith.constant 128 : i32
      %lt3A_246 = arith.cmpi slt, %add3A_245, %lt3A : i32
      %convert_element_type3A = arith.extui %lt3A_246 : i1 to i32
      %cond3A = arith.constant 0 : i32
      %cond3A_247 = arith.cmpi ne, %convert_element_type3A, %cond3A : i32
      scf.if %cond3A_247 {
        %add3A_558 = arith.constant 6 : i32
        %add3A_559 = arith.addi %add3A_192, %add3A_558 : i32
        %mul3A_560 = arith.constant 104 : i32
        %mul3A_561 = arith.muli %add3A_559, %mul3A_560 : i32
        %dma_start3A_562 = tpu.memref_slice %arg7[%mul3A_561] : memref<13312xi32, #tpu.memory_space<vmem>> -> memref<100xi32, #tpu.memory_space<vmem>>
        %dma_start3A_563 = arith.constant 0 : i32
        %dma_start3A_564 = arith.constant 0 : i32
        %dma_start3A_565 = tpu.memref_slice %arg3[%dma_start3A_563, %dma_start3A_564] : memref<100000x128xf32, #tpu.memory_space<hbm>> -> memref<100000x128xf32, #tpu.memory_space<hbm>>
        tpu.enqueue_indirect_dma source(%dma_start3A_565 : memref<100000x128xf32, #tpu.memory_space<hbm>>) target(%arg8 : memref<100x128xf32, #tpu.memory_space<vmem>>) offsets(%dma_start3A_562 : memref<100xi32, #tpu.memory_space<vmem>>) semaphore(%arg16 : memref<!tpu.dma_semaphore, #tpu.memory_space<semaphore_mem>>)
      } else {
      }
      %mul3A_248 = arith.constant 6 : i32
      %mul3A_249 = arith.muli %mul3A_248, %scan3A_188 : i32
      %add3A_250 = arith.constant 1 : i32
      %add3A_251 = arith.addi %mul3A_249, %add3A_250 : i32
      %dma_wait3A_252 = arith.constant 0 : i32
      %dma_wait3A_253 = tpu.memref_slice %arg7[%dma_wait3A_252] : memref<13312xi32, #tpu.memory_space<vmem>> -> memref<100xi32, #tpu.memory_space<vmem>>
      %dma_wait3A_254 = arith.constant 0 : i32
      %dma_wait3A_255 = arith.constant 0 : i32
      %dma_wait3A_256 = tpu.memref_slice %arg3[%dma_wait3A_254, %dma_wait3A_255] : memref<100000x128xf32, #tpu.memory_space<hbm>> -> memref<100000x128xf32, #tpu.memory_space<hbm>>
      tpu.wait_indirect_dma semaphore(%arg17 : memref<!tpu.dma_semaphore, #tpu.memory_space<semaphore_mem>>) src(%dma_wait3A_256 : memref<100000x128xf32, #tpu.memory_space<hbm>>) dst(%arg9 : memref<100x128xf32, #tpu.memory_space<vmem>>)
      %scan3A_257 = arith.constant 0 : i32
      %scan3A_258 = arith.constant 100 : i32
      %scan3A_259 = arith.addi %scan3A_257, %scan3A_258 : i32
      %scan3A_260 = arith.constant 2 : i32
      %scan3A_261:8 = scf.for %scan3A_558 = %scan3A_257 to %scan3A_259 step %scan3A_260 iter_args(%scan3A_559 = %get3A_9, %scan3A_560 = %get3A_12, %scan3A_561 = %get3A_15, %scan3A_562 = %get3A_18, %scan3A_563 = %get3A_21, %scan3A_564 = %get3A_24, %scan3A_565 = %get3A_27, %scan3A_566 = %get3A_30) -> (vector<16xf32>, vector<16xf32>, vector<16xf32>, vector<16xf32>, vector<16xf32>, vector<16xf32>, vector<16xf32>, vector<16xf32>)  : i32 {
        %get3A_567 = arith.index_cast %scan3A_558 : i32 to index
        %get3A_568 = arith.constant 0 : index
        %get3A_569 = tpu.vector_load %arg9[%get3A_567, %get3A_568] {strides = array<i32>} : memref<100x128xf32, #tpu.memory_space<vmem>>, vector<1x16xf32>,
        %get3A_570 = vector.shape_cast %get3A_569 : vector<1x16xf32> to vector<16xf32>
        %add3A_571 = arith.addf %scan3A_559, %get3A_570 : vector<16xf32>
        %get3A_572 = arith.index_cast %scan3A_558 : i32 to index
        %get3A_573 = arith.constant 16 : index
        %get3A_574 = tpu.vector_load %arg9[%get3A_572, %get3A_573] {strides = array<i32>} : memref<100x128xf32, #tpu.memory_space<vmem>>, vector<1x16xf32>,
        %get3A_575 = vector.shape_cast %get3A_574 : vector<1x16xf32> to vector<16xf32>
        %add3A_576 = arith.addf %scan3A_560, %get3A_575 : vector<16xf32>
        %get3A_577 = arith.index_cast %scan3A_558 : i32 to index
        %get3A_578 = arith.constant 32 : index
        %get3A_579 = tpu.vector_load %arg9[%get3A_577, %get3A_578] {strides = array<i32>} : memref<100x128xf32, #tpu.memory_space<vmem>>, vector<1x16xf32>,
        %get3A_580 = vector.shape_cast %get3A_579 : vector<1x16xf32> to vector<16xf32>
        %add3A_581 = arith.addf %scan3A_561, %get3A_580 : vector<16xf32>
        %get3A_582 = arith.index_cast %scan3A_558 : i32 to index
        %get3A_583 = arith.constant 48 : index
        %get3A_584 = tpu.vector_load %arg9[%get3A_582, %get3A_583] {strides = array<i32>} : memref<100x128xf32, #tpu.memory_space<vmem>>, vector<1x16xf32>,
        %get3A_585 = vector.shape_cast %get3A_584 : vector<1x16xf32> to vector<16xf32>
        %add3A_586 = arith.addf %scan3A_562, %get3A_585 : vector<16xf32>
        %get3A_587 = arith.index_cast %scan3A_558 : i32 to index
        %get3A_588 = arith.constant 64 : index
        %get3A_589 = tpu.vector_load %arg9[%get3A_587, %get3A_588] {strides = array<i32>} : memref<100x128xf32, #tpu.memory_space<vmem>>, vector<1x16xf32>,
        %get3A_590 = vector.shape_cast %get3A_589 : vector<1x16xf32> to vector<16xf32>
        %add3A_591 = arith.addf %scan3A_563, %get3A_590 : vector<16xf32>
        %get3A_592 = arith.index_cast %scan3A_558 : i32 to index
        %get3A_593 = arith.constant 80 : index
        %get3A_594 = tpu.vector_load %arg9[%get3A_592, %get3A_593] {strides = array<i32>} : memref<100x128xf32, #tpu.memory_space<vmem>>, vector<1x16xf32>,
        %get3A_595 = vector.shape_cast %get3A_594 : vector<1x16xf32> to vector<16xf32>
        %add3A_596 = arith.addf %scan3A_564, %get3A_595 : vector<16xf32>
        %get3A_597 = arith.index_cast %scan3A_558 : i32 to index
        %get3A_598 = arith.constant 96 : index
        %get3A_599 = tpu.vector_load %arg9[%get3A_597, %get3A_598] {strides = array<i32>} : memref<100x128xf32, #tpu.memory_space<vmem>>, vector<1x16xf32>,
        %get3A_600 = vector.shape_cast %get3A_599 : vector<1x16xf32> to vector<16xf32>
        %add3A_601 = arith.addf %scan3A_565, %get3A_600 : vector<16xf32>
        %get3A_602 = arith.index_cast %scan3A_558 : i32 to index
        %get3A_603 = arith.constant 112 : index
        %get3A_604 = tpu.vector_load %arg9[%get3A_602, %get3A_603] {strides = array<i32>} : memref<100x128xf32, #tpu.memory_space<vmem>>, vector<1x16xf32>,
        %get3A_605 = vector.shape_cast %get3A_604 : vector<1x16xf32> to vector<16xf32>
        %add3A_606 = arith.addf %scan3A_566, %get3A_605 : vector<16xf32>
        %scan3A_607 = arith.constant 1 : i32
        %scan3A_608 = arith.addi %scan3A_558, %scan3A_607 : i32
        %get3A_609 = arith.index_cast %scan3A_608 : i32 to index
        %get3A_610 = arith.constant 0 : index
        %get3A_611 = tpu.vector_load %arg9[%get3A_609, %get3A_610] {strides = array<i32>} : memref<100x128xf32, #tpu.memory_space<vmem>>, vector<1x16xf32>,
        %get3A_612 = vector.shape_cast %get3A_611 : vector<1x16xf32> to vector<16xf32>
        %add3A_613 = arith.addf %add3A_571, %get3A_612 : vector<16xf32>
        %get3A_614 = arith.index_cast %scan3A_608 : i32 to index
        %get3A_615 = arith.constant 16 : index
        %get3A_616 = tpu.vector_load %arg9[%get3A_614, %get3A_615] {strides = array<i32>} : memref<100x128xf32, #tpu.memory_space<vmem>>, vector<1x16xf32>,
        %get3A_617 = vector.shape_cast %get3A_616 : vector<1x16xf32> to vector<16xf32>
        %add3A_618 = arith.addf %add3A_576, %get3A_617 : vector<16xf32>
        %get3A_619 = arith.index_cast %scan3A_608 : i32 to index
        %get3A_620 = arith.constant 32 : index
        %get3A_621 = tpu.vector_load %arg9[%get3A_619, %get3A_620] {strides = array<i32>} : memref<100x128xf32, #tpu.memory_space<vmem>>, vector<1x16xf32>,
        %get3A_622 = vector.shape_cast %get3A_621 : vector<1x16xf32> to vector<16xf32>
        %add3A_623 = arith.addf %add3A_581, %get3A_622 : vector<16xf32>
        %get3A_624 = arith.index_cast %scan3A_608 : i32 to index
        %get3A_625 = arith.constant 48 : index
        %get3A_626 = tpu.vector_load %arg9[%get3A_624, %get3A_625] {strides = array<i32>} : memref<100x128xf32, #tpu.memory_space<vmem>>, vector<1x16xf32>,
        %get3A_627 = vector.shape_cast %get3A_626 : vector<1x16xf32> to vector<16xf32>
        %add3A_628 = arith.addf %add3A_586, %get3A_627 : vector<16xf32>
        %get3A_629 = arith.index_cast %scan3A_608 : i32 to index
        %get3A_630 = arith.constant 64 : index
        %get3A_631 = tpu.vector_load %arg9[%get3A_629, %get3A_630] {strides = array<i32>} : memref<100x128xf32, #tpu.memory_space<vmem>>, vector<1x16xf32>,
        %get3A_632 = vector.shape_cast %get3A_631 : vector<1x16xf32> to vector<16xf32>
        %add3A_633 = arith.addf %add3A_591, %get3A_632 : vector<16xf32>
        %get3A_634 = arith.index_cast %scan3A_608 : i32 to index
        %get3A_635 = arith.constant 80 : index
        %get3A_636 = tpu.vector_load %arg9[%get3A_634, %get3A_635] {strides = array<i32>} : memref<100x128xf32, #tpu.memory_space<vmem>>, vector<1x16xf32>,
        %get3A_637 = vector.shape_cast %get3A_636 : vector<1x16xf32> to vector<16xf32>
        %add3A_638 = arith.addf %add3A_596, %get3A_637 : vector<16xf32>
        %get3A_639 = arith.index_cast %scan3A_608 : i32 to index
        %get3A_640 = arith.constant 96 : index
        %get3A_641 = tpu.vector_load %arg9[%get3A_639, %get3A_640] {strides = array<i32>} : memref<100x128xf32, #tpu.memory_space<vmem>>, vector<1x16xf32>,
        %get3A_642 = vector.shape_cast %get3A_641 : vector<1x16xf32> to vector<16xf32>
        %add3A_643 = arith.addf %add3A_601, %get3A_642 : vector<16xf32>
        %get3A_644 = arith.index_cast %scan3A_608 : i32 to index
        %get3A_645 = arith.constant 112 : index
        %get3A_646 = tpu.vector_load %arg9[%get3A_644, %get3A_645] {strides = array<i32>} : memref<100x128xf32, #tpu.memory_space<vmem>>, vector<1x16xf32>,
        %get3A_647 = vector.shape_cast %get3A_646 : vector<1x16xf32> to vector<16xf32>
        %add3A_648 = arith.addf %add3A_606, %get3A_647 : vector<16xf32>
        scf.yield %add3A_613, %add3A_618, %add3A_623, %add3A_628, %add3A_633, %add3A_638, %add3A_643, %add3A_648 : vector<16xf32>, vector<16xf32>, vector<16xf32>, vector<16xf32>, vector<16xf32>, vector<16xf32>, vector<16xf32>, vector<16xf32>
      }
      %scan3A_262 = arith.constant 100 : i32
      %swap3A_263 = arith.index_cast %add3A_251 : i32 to index
      %swap3A_264 = arith.constant 0 : index
      %swap3A_265 = tpu.vector_load %arg14[%swap3A_263, %swap3A_264] {strides = array<i32>} : memref<128x128xf32, #tpu.memory_space<vmem>>, vector<1x16xf32>,
      %swap3A_266 = vector.shape_cast %swap3A_265 : vector<1x16xf32> to vector<16xf32>
      %swap3A_267 = vector.shape_cast %scan3A_261#0 : vector<16xf32> to vector<1x16xf32>
      tpu.vector_store %arg14[%swap3A_263, %swap3A_264], %swap3A_267 {strides = array<i32>} : memref<128x128xf32, #tpu.memory_space<vmem>>, vector<1x16xf32>,
      %swap3A_268 = arith.index_cast %add3A_251 : i32 to index
      %swap3A_269 = arith.constant 16 : index
      %swap3A_270 = tpu.vector_load %arg14[%swap3A_268, %swap3A_269] {strides = array<i32>} : memref<128x128xf32, #tpu.memory_space<vmem>>, vector<1x16xf32>,
      %swap3A_271 = vector.shape_cast %swap3A_270 : vector<1x16xf32> to vector<16xf32>
      %swap3A_272 = vector.shape_cast %scan3A_261#1 : vector<16xf32> to vector<1x16xf32>
      tpu.vector_store %arg14[%swap3A_268, %swap3A_269], %swap3A_272 {strides = array<i32>} : memref<128x128xf32, #tpu.memory_space<vmem>>, vector<1x16xf32>,
      %swap3A_273 = arith.index_cast %add3A_251 : i32 to index
      %swap3A_274 = arith.constant 32 : index
      %swap3A_275 = tpu.vector_load %arg14[%swap3A_273, %swap3A_274] {strides = array<i32>} : memref<128x128xf32, #tpu.memory_space<vmem>>, vector<1x16xf32>,
      %swap3A_276 = vector.shape_cast %swap3A_275 : vector<1x16xf32> to vector<16xf32>
      %swap3A_277 = vector.shape_cast %scan3A_261#2 : vector<16xf32> to vector<1x16xf32>
      tpu.vector_store %arg14[%swap3A_273, %swap3A_274], %swap3A_277 {strides = array<i32>} : memref<128x128xf32, #tpu.memory_space<vmem>>, vector<1x16xf32>,
      %swap3A_278 = arith.index_cast %add3A_251 : i32 to index
      %swap3A_279 = arith.constant 48 : index
      %swap3A_280 = tpu.vector_load %arg14[%swap3A_278, %swap3A_279] {strides = array<i32>} : memref<128x128xf32, #tpu.memory_space<vmem>>, vector<1x16xf32>,
      %swap3A_281 = vector.shape_cast %swap3A_280 : vector<1x16xf32> to vector<16xf32>
      %swap3A_282 = vector.shape_cast %scan3A_261#3 : vector<16xf32> to vector<1x16xf32>
      tpu.vector_store %arg14[%swap3A_278, %swap3A_279], %swap3A_282 {strides = array<i32>} : memref<128x128xf32, #tpu.memory_space<vmem>>, vector<1x16xf32>,
      %swap3A_283 = arith.index_cast %add3A_251 : i32 to index
      %swap3A_284 = arith.constant 64 : index
      %swap3A_285 = tpu.vector_load %arg14[%swap3A_283, %swap3A_284] {strides = array<i32>} : memref<128x128xf32, #tpu.memory_space<vmem>>, vector<1x16xf32>,
      %swap3A_286 = vector.shape_cast %swap3A_285 : vector<1x16xf32> to vector<16xf32>
      %swap3A_287 = vector.shape_cast %scan3A_261#4 : vector<16xf32> to vector<1x16xf32>
      tpu.vector_store %arg14[%swap3A_283, %swap3A_284], %swap3A_287 {strides = array<i32>} : memref<128x128xf32, #tpu.memory_space<vmem>>, vector<1x16xf32>,
      %swap3A_288 = arith.index_cast %add3A_251 : i32 to index
      %swap3A_289 = arith.constant 80 : index
      %swap3A_290 = tpu.vector_load %arg14[%swap3A_288, %swap3A_289] {strides = array<i32>} : memref<128x128xf32, #tpu.memory_space<vmem>>, vector<1x16xf32>,
      %swap3A_291 = vector.shape_cast %swap3A_290 : vector<1x16xf32> to vector<16xf32>
      %swap3A_292 = vector.shape_cast %scan3A_261#5 : vector<16xf32> to vector<1x16xf32>
      tpu.vector_store %arg14[%swap3A_288, %swap3A_289], %swap3A_292 {strides = array<i32>} : memref<128x128xf32, #tpu.memory_space<vmem>>, vector<1x16xf32>,
      %swap3A_293 = arith.index_cast %add3A_251 : i32 to index
      %swap3A_294 = arith.constant 96 : index
      %swap3A_295 = tpu.vector_load %arg14[%swap3A_293, %swap3A_294] {strides = array<i32>} : memref<128x128xf32, #tpu.memory_space<vmem>>, vector<1x16xf32>,
      %swap3A_296 = vector.shape_cast %swap3A_295 : vector<1x16xf32> to vector<16xf32>
      %swap3A_297 = vector.shape_cast %scan3A_261#6 : vector<16xf32> to vector<1x16xf32>
      tpu.vector_store %arg14[%swap3A_293, %swap3A_294], %swap3A_297 {strides = array<i32>} : memref<128x128xf32, #tpu.memory_space<vmem>>, vector<1x16xf32>,
      %swap3A_298 = arith.index_cast %add3A_251 : i32 to index
      %swap3A_299 = arith.constant 112 : index
      %swap3A_300 = tpu.vector_load %arg14[%swap3A_298, %swap3A_299] {strides = array<i32>} : memref<128x128xf32, #tpu.memory_space<vmem>>, vector<1x16xf32>,
      %swap3A_301 = vector.shape_cast %swap3A_300 : vector<1x16xf32> to vector<16xf32>
      %swap3A_302 = vector.shape_cast %scan3A_261#7 : vector<16xf32> to vector<1x16xf32>
      tpu.vector_store %arg14[%swap3A_298, %swap3A_299], %swap3A_302 {strides = array<i32>} : memref<128x128xf32, #tpu.memory_space<vmem>>, vector<1x16xf32>,
      %add3A_303 = arith.constant 6 : i32
      %add3A_304 = arith.addi %add3A_251, %add3A_303 : i32
      %lt3A_305 = arith.constant 128 : i32
      %lt3A_306 = arith.cmpi slt, %add3A_304, %lt3A_305 : i32
      %convert_element_type3A_307 = arith.extui %lt3A_306 : i1 to i32
      %cond3A_308 = arith.constant 0 : i32
      %cond3A_309 = arith.cmpi ne, %convert_element_type3A_307, %cond3A_308 : i32
      scf.if %cond3A_309 {
        %add3A_558 = arith.constant 6 : i32
        %add3A_559 = arith.addi %add3A_251, %add3A_558 : i32
        %mul3A_560 = arith.constant 104 : i32
        %mul3A_561 = arith.muli %add3A_559, %mul3A_560 : i32
        %dma_start3A_562 = tpu.memref_slice %arg7[%mul3A_561] : memref<13312xi32, #tpu.memory_space<vmem>> -> memref<100xi32, #tpu.memory_space<vmem>>
        %dma_start3A_563 = arith.constant 0 : i32
        %dma_start3A_564 = arith.constant 0 : i32
        %dma_start3A_565 = tpu.memref_slice %arg3[%dma_start3A_563, %dma_start3A_564] : memref<100000x128xf32, #tpu.memory_space<hbm>> -> memref<100000x128xf32, #tpu.memory_space<hbm>>
        tpu.enqueue_indirect_dma source(%dma_start3A_565 : memref<100000x128xf32, #tpu.memory_space<hbm>>) target(%arg9 : memref<100x128xf32, #tpu.memory_space<vmem>>) offsets(%dma_start3A_562 : memref<100xi32, #tpu.memory_space<vmem>>) semaphore(%arg17 : memref<!tpu.dma_semaphore, #tpu.memory_space<semaphore_mem>>)
      } else {
      }
      %mul3A_310 = arith.constant 6 : i32
      %mul3A_311 = arith.muli %mul3A_310, %scan3A_188 : i32
      %add3A_312 = arith.constant 2 : i32
      %add3A_313 = arith.addi %mul3A_311, %add3A_312 : i32
      %dma_wait3A_314 = arith.constant 0 : i32
      %dma_wait3A_315 = tpu.memref_slice %arg7[%dma_wait3A_314] : memref<13312xi32, #tpu.memory_space<vmem>> -> memref<100xi32, #tpu.memory_space<vmem>>
      %dma_wait3A_316 = arith.constant 0 : i32
      %dma_wait3A_317 = arith.constant 0 : i32
      %dma_wait3A_318 = tpu.memref_slice %arg3[%dma_wait3A_316, %dma_wait3A_317] : memref<100000x128xf32, #tpu.memory_space<hbm>> -> memref<100000x128xf32, #tpu.memory_space<hbm>>
      tpu.wait_indirect_dma semaphore(%arg18 : memref<!tpu.dma_semaphore, #tpu.memory_space<semaphore_mem>>) src(%dma_wait3A_318 : memref<100000x128xf32, #tpu.memory_space<hbm>>) dst(%arg10 : memref<100x128xf32, #tpu.memory_space<vmem>>)
      %scan3A_319 = arith.constant 0 : i32
      %scan3A_320 = arith.constant 100 : i32
      %scan3A_321 = arith.addi %scan3A_319, %scan3A_320 : i32
      %scan3A_322 = arith.constant 2 : i32
      %scan3A_323:8 = scf.for %scan3A_558 = %scan3A_319 to %scan3A_321 step %scan3A_322 iter_args(%scan3A_559 = %get3A_9, %scan3A_560 = %get3A_12, %scan3A_561 = %get3A_15, %scan3A_562 = %get3A_18, %scan3A_563 = %get3A_21, %scan3A_564 = %get3A_24, %scan3A_565 = %get3A_27, %scan3A_566 = %get3A_30) -> (vector<16xf32>, vector<16xf32>, vector<16xf32>, vector<16xf32>, vector<16xf32>, vector<16xf32>, vector<16xf32>, vector<16xf32>)  : i32 {
        %get3A_567 = arith.index_cast %scan3A_558 : i32 to index
        %get3A_568 = arith.constant 0 : index
        %get3A_569 = tpu.vector_load %arg10[%get3A_567, %get3A_568] {strides = array<i32>} : memref<100x128xf32, #tpu.memory_space<vmem>>, vector<1x16xf32>,
        %get3A_570 = vector.shape_cast %get3A_569 : vector<1x16xf32> to vector<16xf32>
        %add3A_571 = arith.addf %scan3A_559, %get3A_570 : vector<16xf32>
        %get3A_572 = arith.index_cast %scan3A_558 : i32 to index
        %get3A_573 = arith.constant 16 : index
        %get3A_574 = tpu.vector_load %arg10[%get3A_572, %get3A_573] {strides = array<i32>} : memref<100x128xf32, #tpu.memory_space<vmem>>, vector<1x16xf32>,
        %get3A_575 = vector.shape_cast %get3A_574 : vector<1x16xf32> to vector<16xf32>
        %add3A_576 = arith.addf %scan3A_560, %get3A_575 : vector<16xf32>
        %get3A_577 = arith.index_cast %scan3A_558 : i32 to index
        %get3A_578 = arith.constant 32 : index
        %get3A_579 = tpu.vector_load %arg10[%get3A_577, %get3A_578] {strides = array<i32>} : memref<100x128xf32, #tpu.memory_space<vmem>>, vector<1x16xf32>,
        %get3A_580 = vector.shape_cast %get3A_579 : vector<1x16xf32> to vector<16xf32>
        %add3A_581 = arith.addf %scan3A_561, %get3A_580 : vector<16xf32>
        %get3A_582 = arith.index_cast %scan3A_558 : i32 to index
        %get3A_583 = arith.constant 48 : index
        %get3A_584 = tpu.vector_load %arg10[%get3A_582, %get3A_583] {strides = array<i32>} : memref<100x128xf32, #tpu.memory_space<vmem>>, vector<1x16xf32>,
        %get3A_585 = vector.shape_cast %get3A_584 : vector<1x16xf32> to vector<16xf32>
        %add3A_586 = arith.addf %scan3A_562, %get3A_585 : vector<16xf32>
        %get3A_587 = arith.index_cast %scan3A_558 : i32 to index
        %get3A_588 = arith.constant 64 : index
        %get3A_589 = tpu.vector_load %arg10[%get3A_587, %get3A_588] {strides = array<i32>} : memref<100x128xf32, #tpu.memory_space<vmem>>, vector<1x16xf32>,
        %get3A_590 = vector.shape_cast %get3A_589 : vector<1x16xf32> to vector<16xf32>
        %add3A_591 = arith.addf %scan3A_563, %get3A_590 : vector<16xf32>
        %get3A_592 = arith.index_cast %scan3A_558 : i32 to index
        %get3A_593 = arith.constant 80 : index
        %get3A_594 = tpu.vector_load %arg10[%get3A_592, %get3A_593] {strides = array<i32>} : memref<100x128xf32, #tpu.memory_space<vmem>>, vector<1x16xf32>,
        %get3A_595 = vector.shape_cast %get3A_594 : vector<1x16xf32> to vector<16xf32>
        %add3A_596 = arith.addf %scan3A_564, %get3A_595 : vector<16xf32>
        %get3A_597 = arith.index_cast %scan3A_558 : i32 to index
        %get3A_598 = arith.constant 96 : index
        %get3A_599 = tpu.vector_load %arg10[%get3A_597, %get3A_598] {strides = array<i32>} : memref<100x128xf32, #tpu.memory_space<vmem>>, vector<1x16xf32>,
        %get3A_600 = vector.shape_cast %get3A_599 : vector<1x16xf32> to vector<16xf32>
        %add3A_601 = arith.addf %scan3A_565, %get3A_600 : vector<16xf32>
        %get3A_602 = arith.index_cast %scan3A_558 : i32 to index
        %get3A_603 = arith.constant 112 : index
        %get3A_604 = tpu.vector_load %arg10[%get3A_602, %get3A_603] {strides = array<i32>} : memref<100x128xf32, #tpu.memory_space<vmem>>, vector<1x16xf32>,
        %get3A_605 = vector.shape_cast %get3A_604 : vector<1x16xf32> to vector<16xf32>
        %add3A_606 = arith.addf %scan3A_566, %get3A_605 : vector<16xf32>
        %scan3A_607 = arith.constant 1 : i32
        %scan3A_608 = arith.addi %scan3A_558, %scan3A_607 : i32
        %get3A_609 = arith.index_cast %scan3A_608 : i32 to index
        %get3A_610 = arith.constant 0 : index
        %get3A_611 = tpu.vector_load %arg10[%get3A_609, %get3A_610] {strides = array<i32>} : memref<100x128xf32, #tpu.memory_space<vmem>>, vector<1x16xf32>,
        %get3A_612 = vector.shape_cast %get3A_611 : vector<1x16xf32> to vector<16xf32>
        %add3A_613 = arith.addf %add3A_571, %get3A_612 : vector<16xf32>
        %get3A_614 = arith.index_cast %scan3A_608 : i32 to index
        %get3A_615 = arith.constant 16 : index
        %get3A_616 = tpu.vector_load %arg10[%get3A_614, %get3A_615] {strides = array<i32>} : memref<100x128xf32, #tpu.memory_space<vmem>>, vector<1x16xf32>,
        %get3A_617 = vector.shape_cast %get3A_616 : vector<1x16xf32> to vector<16xf32>
        %add3A_618 = arith.addf %add3A_576, %get3A_617 : vector<16xf32>
        %get3A_619 = arith.index_cast %scan3A_608 : i32 to index
        %get3A_620 = arith.constant 32 : index
        %get3A_621 = tpu.vector_load %arg10[%get3A_619, %get3A_620] {strides = array<i32>} : memref<100x128xf32, #tpu.memory_space<vmem>>, vector<1x16xf32>,
        %get3A_622 = vector.shape_cast %get3A_621 : vector<1x16xf32> to vector<16xf32>
        %add3A_623 = arith.addf %add3A_581, %get3A_622 : vector<16xf32>
        %get3A_624 = arith.index_cast %scan3A_608 : i32 to index
        %get3A_625 = arith.constant 48 : index
        %get3A_626 = tpu.vector_load %arg10[%get3A_624, %get3A_625] {strides = array<i32>} : memref<100x128xf32, #tpu.memory_space<vmem>>, vector<1x16xf32>,
        %get3A_627 = vector.shape_cast %get3A_626 : vector<1x16xf32> to vector<16xf32>
        %add3A_628 = arith.addf %add3A_586, %get3A_627 : vector<16xf32>
        %get3A_629 = arith.index_cast %scan3A_608 : i32 to index
        %get3A_630 = arith.constant 64 : index
        %get3A_631 = tpu.vector_load %arg10[%get3A_629, %get3A_630] {strides = array<i32>} : memref<100x128xf32, #tpu.memory_space<vmem>>, vector<1x16xf32>,
        %get3A_632 = vector.shape_cast %get3A_631 : vector<1x16xf32> to vector<16xf32>
        %add3A_633 = arith.addf %add3A_591, %get3A_632 : vector<16xf32>
        %get3A_634 = arith.index_cast %scan3A_608 : i32 to index
        %get3A_635 = arith.constant 80 : index
        %get3A_636 = tpu.vector_load %arg10[%get3A_634, %get3A_635] {strides = array<i32>} : memref<100x128xf32, #tpu.memory_space<vmem>>, vector<1x16xf32>,
        %get3A_637 = vector.shape_cast %get3A_636 : vector<1x16xf32> to vector<16xf32>
        %add3A_638 = arith.addf %add3A_596, %get3A_637 : vector<16xf32>
        %get3A_639 = arith.index_cast %scan3A_608 : i32 to index
        %get3A_640 = arith.constant 96 : index
        %get3A_641 = tpu.vector_load %arg10[%get3A_639, %get3A_640] {strides = array<i32>} : memref<100x128xf32, #tpu.memory_space<vmem>>, vector<1x16xf32>,
        %get3A_642 = vector.shape_cast %get3A_641 : vector<1x16xf32> to vector<16xf32>
        %add3A_643 = arith.addf %add3A_601, %get3A_642 : vector<16xf32>
        %get3A_644 = arith.index_cast %scan3A_608 : i32 to index
        %get3A_645 = arith.constant 112 : index
        %get3A_646 = tpu.vector_load %arg10[%get3A_644, %get3A_645] {strides = array<i32>} : memref<100x128xf32, #tpu.memory_space<vmem>>, vector<1x16xf32>,
        %get3A_647 = vector.shape_cast %get3A_646 : vector<1x16xf32> to vector<16xf32>
        %add3A_648 = arith.addf %add3A_606, %get3A_647 : vector<16xf32>
        scf.yield %add3A_613, %add3A_618, %add3A_623, %add3A_628, %add3A_633, %add3A_638, %add3A_643, %add3A_648 : vector<16xf32>, vector<16xf32>, vector<16xf32>, vector<16xf32>, vector<16xf32>, vector<16xf32>, vector<16xf32>, vector<16xf32>
      }
      %scan3A_324 = arith.constant 100 : i32
      %swap3A_325 = arith.index_cast %add3A_313 : i32 to index
      %swap3A_326 = arith.constant 0 : index
      %swap3A_327 = tpu.vector_load %arg14[%swap3A_325, %swap3A_326] {strides = array<i32>} : memref<128x128xf32, #tpu.memory_space<vmem>>, vector<1x16xf32>,
      %swap3A_328 = vector.shape_cast %swap3A_327 : vector<1x16xf32> to vector<16xf32>
      %swap3A_329 = vector.shape_cast %scan3A_323#0 : vector<16xf32> to vector<1x16xf32>
      tpu.vector_store %arg14[%swap3A_325, %swap3A_326], %swap3A_329 {strides = array<i32>} : memref<128x128xf32, #tpu.memory_space<vmem>>, vector<1x16xf32>,
      %swap3A_330 = arith.index_cast %add3A_313 : i32 to index
      %swap3A_331 = arith.constant 16 : index
      %swap3A_332 = tpu.vector_load %arg14[%swap3A_330, %swap3A_331] {strides = array<i32>} : memref<128x128xf32, #tpu.memory_space<vmem>>, vector<1x16xf32>,
      %swap3A_333 = vector.shape_cast %swap3A_332 : vector<1x16xf32> to vector<16xf32>
      %swap3A_334 = vector.shape_cast %scan3A_323#1 : vector<16xf32> to vector<1x16xf32>
      tpu.vector_store %arg14[%swap3A_330, %swap3A_331], %swap3A_334 {strides = array<i32>} : memref<128x128xf32, #tpu.memory_space<vmem>>, vector<1x16xf32>,
      %swap3A_335 = arith.index_cast %add3A_313 : i32 to index
      %swap3A_336 = arith.constant 32 : index
      %swap3A_337 = tpu.vector_load %arg14[%swap3A_335, %swap3A_336] {strides = array<i32>} : memref<128x128xf32, #tpu.memory_space<vmem>>, vector<1x16xf32>,
      %swap3A_338 = vector.shape_cast %swap3A_337 : vector<1x16xf32> to vector<16xf32>
      %swap3A_339 = vector.shape_cast %scan3A_323#2 : vector<16xf32> to vector<1x16xf32>
      tpu.vector_store %arg14[%swap3A_335, %swap3A_336], %swap3A_339 {strides = array<i32>} : memref<128x128xf32, #tpu.memory_space<vmem>>, vector<1x16xf32>,
      %swap3A_340 = arith.index_cast %add3A_313 : i32 to index
      %swap3A_341 = arith.constant 48 : index
      %swap3A_342 = tpu.vector_load %arg14[%swap3A_340, %swap3A_341] {strides = array<i32>} : memref<128x128xf32, #tpu.memory_space<vmem>>, vector<1x16xf32>,
      %swap3A_343 = vector.shape_cast %swap3A_342 : vector<1x16xf32> to vector<16xf32>
      %swap3A_344 = vector.shape_cast %scan3A_323#3 : vector<16xf32> to vector<1x16xf32>
      tpu.vector_store %arg14[%swap3A_340, %swap3A_341], %swap3A_344 {strides = array<i32>} : memref<128x128xf32, #tpu.memory_space<vmem>>, vector<1x16xf32>,
      %swap3A_345 = arith.index_cast %add3A_313 : i32 to index
      %swap3A_346 = arith.constant 64 : index
      %swap3A_347 = tpu.vector_load %arg14[%swap3A_345, %swap3A_346] {strides = array<i32>} : memref<128x128xf32, #tpu.memory_space<vmem>>, vector<1x16xf32>,
      %swap3A_348 = vector.shape_cast %swap3A_347 : vector<1x16xf32> to vector<16xf32>
      %swap3A_349 = vector.shape_cast %scan3A_323#4 : vector<16xf32> to vector<1x16xf32>
      tpu.vector_store %arg14[%swap3A_345, %swap3A_346], %swap3A_349 {strides = array<i32>} : memref<128x128xf32, #tpu.memory_space<vmem>>, vector<1x16xf32>,
      %swap3A_350 = arith.index_cast %add3A_313 : i32 to index
      %swap3A_351 = arith.constant 80 : index
      %swap3A_352 = tpu.vector_load %arg14[%swap3A_350, %swap3A_351] {strides = array<i32>} : memref<128x128xf32, #tpu.memory_space<vmem>>, vector<1x16xf32>,
      %swap3A_353 = vector.shape_cast %swap3A_352 : vector<1x16xf32> to vector<16xf32>
      %swap3A_354 = vector.shape_cast %scan3A_323#5 : vector<16xf32> to vector<1x16xf32>
      tpu.vector_store %arg14[%swap3A_350, %swap3A_351], %swap3A_354 {strides = array<i32>} : memref<128x128xf32, #tpu.memory_space<vmem>>, vector<1x16xf32>,
      %swap3A_355 = arith.index_cast %add3A_313 : i32 to index
      %swap3A_356 = arith.constant 96 : index
      %swap3A_357 = tpu.vector_load %arg14[%swap3A_355, %swap3A_356] {strides = array<i32>} : memref<128x128xf32, #tpu.memory_space<vmem>>, vector<1x16xf32>,
      %swap3A_358 = vector.shape_cast %swap3A_357 : vector<1x16xf32> to vector<16xf32>
      %swap3A_359 = vector.shape_cast %scan3A_323#6 : vector<16xf32> to vector<1x16xf32>
      tpu.vector_store %arg14[%swap3A_355, %swap3A_356], %swap3A_359 {strides = array<i32>} : memref<128x128xf32, #tpu.memory_space<vmem>>, vector<1x16xf32>,
      %swap3A_360 = arith.index_cast %add3A_313 : i32 to index
      %swap3A_361 = arith.constant 112 : index
      %swap3A_362 = tpu.vector_load %arg14[%swap3A_360, %swap3A_361] {strides = array<i32>} : memref<128x128xf32, #tpu.memory_space<vmem>>, vector<1x16xf32>,
      %swap3A_363 = vector.shape_cast %swap3A_362 : vector<1x16xf32> to vector<16xf32>
      %swap3A_364 = vector.shape_cast %scan3A_323#7 : vector<16xf32> to vector<1x16xf32>
      tpu.vector_store %arg14[%swap3A_360, %swap3A_361], %swap3A_364 {strides = array<i32>} : memref<128x128xf32, #tpu.memory_space<vmem>>, vector<1x16xf32>,
      %add3A_365 = arith.constant 6 : i32
      %add3A_366 = arith.addi %add3A_313, %add3A_365 : i32
      %lt3A_367 = arith.constant 128 : i32
      %lt3A_368 = arith.cmpi slt, %add3A_366, %lt3A_367 : i32
      %convert_element_type3A_369 = arith.extui %lt3A_368 : i1 to i32
      %cond3A_370 = arith.constant 0 : i32
      %cond3A_371 = arith.cmpi ne, %convert_element_type3A_369, %cond3A_370 : i32
      scf.if %cond3A_371 {
        %add3A_558 = arith.constant 6 : i32
        %add3A_559 = arith.addi %add3A_313, %add3A_558 : i32
        %mul3A_560 = arith.constant 104 : i32
        %mul3A_561 = arith.muli %add3A_559, %mul3A_560 : i32
        %dma_start3A_562 = tpu.memref_slice %arg7[%mul3A_561] : memref<13312xi32, #tpu.memory_space<vmem>> -> memref<100xi32, #tpu.memory_space<vmem>>
        %dma_start3A_563 = arith.constant 0 : i32
        %dma_start3A_564 = arith.constant 0 : i32
        %dma_start3A_565 = tpu.memref_slice %arg3[%dma_start3A_563, %dma_start3A_564] : memref<100000x128xf32, #tpu.memory_space<hbm>> -> memref<100000x128xf32, #tpu.memory_space<hbm>>
        tpu.enqueue_indirect_dma source(%dma_start3A_565 : memref<100000x128xf32, #tpu.memory_space<hbm>>) target(%arg10 : memref<100x128xf32, #tpu.memory_space<vmem>>) offsets(%dma_start3A_562 : memref<100xi32, #tpu.memory_space<vmem>>) semaphore(%arg18 : memref<!tpu.dma_semaphore, #tpu.memory_space<semaphore_mem>>)
      } else {
      }
      %mul3A_372 = arith.constant 6 : i32
      %mul3A_373 = arith.muli %mul3A_372, %scan3A_188 : i32
      %add3A_374 = arith.constant 3 : i32
      %add3A_375 = arith.addi %mul3A_373, %add3A_374 : i32
      %dma_wait3A_376 = arith.constant 0 : i32
      %dma_wait3A_377 = tpu.memref_slice %arg7[%dma_wait3A_376] : memref<13312xi32, #tpu.memory_space<vmem>> -> memref<100xi32, #tpu.memory_space<vmem>>
      %dma_wait3A_378 = arith.constant 0 : i32
      %dma_wait3A_379 = arith.constant 0 : i32
      %dma_wait3A_380 = tpu.memref_slice %arg3[%dma_wait3A_378, %dma_wait3A_379] : memref<100000x128xf32, #tpu.memory_space<hbm>> -> memref<100000x128xf32, #tpu.memory_space<hbm>>
      tpu.wait_indirect_dma semaphore(%arg19 : memref<!tpu.dma_semaphore, #tpu.memory_space<semaphore_mem>>) src(%dma_wait3A_380 : memref<100000x128xf32, #tpu.memory_space<hbm>>) dst(%arg11 : memref<100x128xf32, #tpu.memory_space<vmem>>)
      %scan3A_381 = arith.constant 0 : i32
      %scan3A_382 = arith.constant 100 : i32
      %scan3A_383 = arith.addi %scan3A_381, %scan3A_382 : i32
      %scan3A_384 = arith.constant 2 : i32
      %scan3A_385:8 = scf.for %scan3A_558 = %scan3A_381 to %scan3A_383 step %scan3A_384 iter_args(%scan3A_559 = %get3A_9, %scan3A_560 = %get3A_12, %scan3A_561 = %get3A_15, %scan3A_562 = %get3A_18, %scan3A_563 = %get3A_21, %scan3A_564 = %get3A_24, %scan3A_565 = %get3A_27, %scan3A_566 = %get3A_30) -> (vector<16xf32>, vector<16xf32>, vector<16xf32>, vector<16xf32>, vector<16xf32>, vector<16xf32>, vector<16xf32>, vector<16xf32>)  : i32 {
        %get3A_567 = arith.index_cast %scan3A_558 : i32 to index
        %get3A_568 = arith.constant 0 : index
        %get3A_569 = tpu.vector_load %arg11[%get3A_567, %get3A_568] {strides = array<i32>} : memref<100x128xf32, #tpu.memory_space<vmem>>, vector<1x16xf32>,
        %get3A_570 = vector.shape_cast %get3A_569 : vector<1x16xf32> to vector<16xf32>
        %add3A_571 = arith.addf %scan3A_559, %get3A_570 : vector<16xf32>
        %get3A_572 = arith.index_cast %scan3A_558 : i32 to index
        %get3A_573 = arith.constant 16 : index
        %get3A_574 = tpu.vector_load %arg11[%get3A_572, %get3A_573] {strides = array<i32>} : memref<100x128xf32, #tpu.memory_space<vmem>>, vector<1x16xf32>,
        %get3A_575 = vector.shape_cast %get3A_574 : vector<1x16xf32> to vector<16xf32>
        %add3A_576 = arith.addf %scan3A_560, %get3A_575 : vector<16xf32>
        %get3A_577 = arith.index_cast %scan3A_558 : i32 to index
        %get3A_578 = arith.constant 32 : index
        %get3A_579 = tpu.vector_load %arg11[%get3A_577, %get3A_578] {strides = array<i32>} : memref<100x128xf32, #tpu.memory_space<vmem>>, vector<1x16xf32>,
        %get3A_580 = vector.shape_cast %get3A_579 : vector<1x16xf32> to vector<16xf32>
        %add3A_581 = arith.addf %scan3A_561, %get3A_580 : vector<16xf32>
        %get3A_582 = arith.index_cast %scan3A_558 : i32 to index
        %get3A_583 = arith.constant 48 : index
        %get3A_584 = tpu.vector_load %arg11[%get3A_582, %get3A_583] {strides = array<i32>} : memref<100x128xf32, #tpu.memory_space<vmem>>, vector<1x16xf32>,
        %get3A_585 = vector.shape_cast %get3A_584 : vector<1x16xf32> to vector<16xf32>
        %add3A_586 = arith.addf %scan3A_562, %get3A_585 : vector<16xf32>
        %get3A_587 = arith.index_cast %scan3A_558 : i32 to index
        %get3A_588 = arith.constant 64 : index
        %get3A_589 = tpu.vector_load %arg11[%get3A_587, %get3A_588] {strides = array<i32>} : memref<100x128xf32, #tpu.memory_space<vmem>>, vector<1x16xf32>,
        %get3A_590 = vector.shape_cast %get3A_589 : vector<1x16xf32> to vector<16xf32>
        %add3A_591 = arith.addf %scan3A_563, %get3A_590 : vector<16xf32>
        %get3A_592 = arith.index_cast %scan3A_558 : i32 to index
        %get3A_593 = arith.constant 80 : index
        %get3A_594 = tpu.vector_load %arg11[%get3A_592, %get3A_593] {strides = array<i32>} : memref<100x128xf32, #tpu.memory_space<vmem>>, vector<1x16xf32>,
        %get3A_595 = vector.shape_cast %get3A_594 : vector<1x16xf32> to vector<16xf32>
        %add3A_596 = arith.addf %scan3A_564, %get3A_595 : vector<16xf32>
        %get3A_597 = arith.index_cast %scan3A_558 : i32 to index
        %get3A_598 = arith.constant 96 : index
        %get3A_599 = tpu.vector_load %arg11[%get3A_597, %get3A_598] {strides = array<i32>} : memref<100x128xf32, #tpu.memory_space<vmem>>, vector<1x16xf32>,
        %get3A_600 = vector.shape_cast %get3A_599 : vector<1x16xf32> to vector<16xf32>
        %add3A_601 = arith.addf %scan3A_565, %get3A_600 : vector<16xf32>
        %get3A_602 = arith.index_cast %scan3A_558 : i32 to index
        %get3A_603 = arith.constant 112 : index
        %get3A_604 = tpu.vector_load %arg11[%get3A_602, %get3A_603] {strides = array<i32>} : memref<100x128xf32, #tpu.memory_space<vmem>>, vector<1x16xf32>,
        %get3A_605 = vector.shape_cast %get3A_604 : vector<1x16xf32> to vector<16xf32>
        %add3A_606 = arith.addf %scan3A_566, %get3A_605 : vector<16xf32>
        %scan3A_607 = arith.constant 1 : i32
        %scan3A_608 = arith.addi %scan3A_558, %scan3A_607 : i32
        %get3A_609 = arith.index_cast %scan3A_608 : i32 to index
        %get3A_610 = arith.constant 0 : index
        %get3A_611 = tpu.vector_load %arg11[%get3A_609, %get3A_610] {strides = array<i32>} : memref<100x128xf32, #tpu.memory_space<vmem>>, vector<1x16xf32>,
        %get3A_612 = vector.shape_cast %get3A_611 : vector<1x16xf32> to vector<16xf32>
        %add3A_613 = arith.addf %add3A_571, %get3A_612 : vector<16xf32>
        %get3A_614 = arith.index_cast %scan3A_608 : i32 to index
        %get3A_615 = arith.constant 16 : index
        %get3A_616 = tpu.vector_load %arg11[%get3A_614, %get3A_615] {strides = array<i32>} : memref<100x128xf32, #tpu.memory_space<vmem>>, vector<1x16xf32>,
        %get3A_617 = vector.shape_cast %get3A_616 : vector<1x16xf32> to vector<16xf32>
        %add3A_618 = arith.addf %add3A_576, %get3A_617 : vector<16xf32>
        %get3A_619 = arith.index_cast %scan3A_608 : i32 to index
        %get3A_620 = arith.constant 32 : index
        %get3A_621 = tpu.vector_load %arg11[%get3A_619, %get3A_620] {strides = array<i32>} : memref<100x128xf32, #tpu.memory_space<vmem>>, vector<1x16xf32>,
        %get3A_622 = vector.shape_cast %get3A_621 : vector<1x16xf32> to vector<16xf32>
        %add3A_623 = arith.addf %add3A_581, %get3A_622 : vector<16xf32>
        %get3A_624 = arith.index_cast %scan3A_608 : i32 to index
        %get3A_625 = arith.constant 48 : index
        %get3A_626 = tpu.vector_load %arg11[%get3A_624, %get3A_625] {strides = array<i32>} : memref<100x128xf32, #tpu.memory_space<vmem>>, vector<1x16xf32>,
        %get3A_627 = vector.shape_cast %get3A_626 : vector<1x16xf32> to vector<16xf32>
        %add3A_628 = arith.addf %add3A_586, %get3A_627 : vector<16xf32>
        %get3A_629 = arith.index_cast %scan3A_608 : i32 to index
        %get3A_630 = arith.constant 64 : index
        %get3A_631 = tpu.vector_load %arg11[%get3A_629, %get3A_630] {strides = array<i32>} : memref<100x128xf32, #tpu.memory_space<vmem>>, vector<1x16xf32>,
        %get3A_632 = vector.shape_cast %get3A_631 : vector<1x16xf32> to vector<16xf32>
        %add3A_633 = arith.addf %add3A_591, %get3A_632 : vector<16xf32>
        %get3A_634 = arith.index_cast %scan3A_608 : i32 to index
        %get3A_635 = arith.constant 80 : index
        %get3A_636 = tpu.vector_load %arg11[%get3A_634, %get3A_635] {strides = array<i32>} : memref<100x128xf32, #tpu.memory_space<vmem>>, vector<1x16xf32>,
        %get3A_637 = vector.shape_cast %get3A_636 : vector<1x16xf32> to vector<16xf32>
        %add3A_638 = arith.addf %add3A_596, %get3A_637 : vector<16xf32>
        %get3A_639 = arith.index_cast %scan3A_608 : i32 to index
        %get3A_640 = arith.constant 96 : index
        %get3A_641 = tpu.vector_load %arg11[%get3A_639, %get3A_640] {strides = array<i32>} : memref<100x128xf32, #tpu.memory_space<vmem>>, vector<1x16xf32>,
        %get3A_642 = vector.shape_cast %get3A_641 : vector<1x16xf32> to vector<16xf32>
        %add3A_643 = arith.addf %add3A_601, %get3A_642 : vector<16xf32>
        %get3A_644 = arith.index_cast %scan3A_608 : i32 to index
        %get3A_645 = arith.constant 112 : index
        %get3A_646 = tpu.vector_load %arg11[%get3A_644, %get3A_645] {strides = array<i32>} : memref<100x128xf32, #tpu.memory_space<vmem>>, vector<1x16xf32>,
        %get3A_647 = vector.shape_cast %get3A_646 : vector<1x16xf32> to vector<16xf32>
        %add3A_648 = arith.addf %add3A_606, %get3A_647 : vector<16xf32>
        scf.yield %add3A_613, %add3A_618, %add3A_623, %add3A_628, %add3A_633, %add3A_638, %add3A_643, %add3A_648 : vector<16xf32>, vector<16xf32>, vector<16xf32>, vector<16xf32>, vector<16xf32>, vector<16xf32>, vector<16xf32>, vector<16xf32>
      }
      %scan3A_386 = arith.constant 100 : i32
      %swap3A_387 = arith.index_cast %add3A_375 : i32 to index
      %swap3A_388 = arith.constant 0 : index
      %swap3A_389 = tpu.vector_load %arg14[%swap3A_387, %swap3A_388] {strides = array<i32>} : memref<128x128xf32, #tpu.memory_space<vmem>>, vector<1x16xf32>,
      %swap3A_390 = vector.shape_cast %swap3A_389 : vector<1x16xf32> to vector<16xf32>
      %swap3A_391 = vector.shape_cast %scan3A_385#0 : vector<16xf32> to vector<1x16xf32>
      tpu.vector_store %arg14[%swap3A_387, %swap3A_388], %swap3A_391 {strides = array<i32>} : memref<128x128xf32, #tpu.memory_space<vmem>>, vector<1x16xf32>,
      %swap3A_392 = arith.index_cast %add3A_375 : i32 to index
      %swap3A_393 = arith.constant 16 : index
      %swap3A_394 = tpu.vector_load %arg14[%swap3A_392, %swap3A_393] {strides = array<i32>} : memref<128x128xf32, #tpu.memory_space<vmem>>, vector<1x16xf32>,
      %swap3A_395 = vector.shape_cast %swap3A_394 : vector<1x16xf32> to vector<16xf32>
      %swap3A_396 = vector.shape_cast %scan3A_385#1 : vector<16xf32> to vector<1x16xf32>
      tpu.vector_store %arg14[%swap3A_392, %swap3A_393], %swap3A_396 {strides = array<i32>} : memref<128x128xf32, #tpu.memory_space<vmem>>, vector<1x16xf32>,
      %swap3A_397 = arith.index_cast %add3A_375 : i32 to index
      %swap3A_398 = arith.constant 32 : index
      %swap3A_399 = tpu.vector_load %arg14[%swap3A_397, %swap3A_398] {strides = array<i32>} : memref<128x128xf32, #tpu.memory_space<vmem>>, vector<1x16xf32>,
      %swap3A_400 = vector.shape_cast %swap3A_399 : vector<1x16xf32> to vector<16xf32>
      %swap3A_401 = vector.shape_cast %scan3A_385#2 : vector<16xf32> to vector<1x16xf32>
      tpu.vector_store %arg14[%swap3A_397, %swap3A_398], %swap3A_401 {strides = array<i32>} : memref<128x128xf32, #tpu.memory_space<vmem>>, vector<1x16xf32>,
      %swap3A_402 = arith.index_cast %add3A_375 : i32 to index
      %swap3A_403 = arith.constant 48 : index
      %swap3A_404 = tpu.vector_load %arg14[%swap3A_402, %swap3A_403] {strides = array<i32>} : memref<128x128xf32, #tpu.memory_space<vmem>>, vector<1x16xf32>,
      %swap3A_405 = vector.shape_cast %swap3A_404 : vector<1x16xf32> to vector<16xf32>
      %swap3A_406 = vector.shape_cast %scan3A_385#3 : vector<16xf32> to vector<1x16xf32>
      tpu.vector_store %arg14[%swap3A_402, %swap3A_403], %swap3A_406 {strides = array<i32>} : memref<128x128xf32, #tpu.memory_space<vmem>>, vector<1x16xf32>,
      %swap3A_407 = arith.index_cast %add3A_375 : i32 to index
      %swap3A_408 = arith.constant 64 : index
      %swap3A_409 = tpu.vector_load %arg14[%swap3A_407, %swap3A_408] {strides = array<i32>} : memref<128x128xf32, #tpu.memory_space<vmem>>, vector<1x16xf32>,
      %swap3A_410 = vector.shape_cast %swap3A_409 : vector<1x16xf32> to vector<16xf32>
      %swap3A_411 = vector.shape_cast %scan3A_385#4 : vector<16xf32> to vector<1x16xf32>
      tpu.vector_store %arg14[%swap3A_407, %swap3A_408], %swap3A_411 {strides = array<i32>} : memref<128x128xf32, #tpu.memory_space<vmem>>, vector<1x16xf32>,
      %swap3A_412 = arith.index_cast %add3A_375 : i32 to index
      %swap3A_413 = arith.constant 80 : index
      %swap3A_414 = tpu.vector_load %arg14[%swap3A_412, %swap3A_413] {strides = array<i32>} : memref<128x128xf32, #tpu.memory_space<vmem>>, vector<1x16xf32>,
      %swap3A_415 = vector.shape_cast %swap3A_414 : vector<1x16xf32> to vector<16xf32>
      %swap3A_416 = vector.shape_cast %scan3A_385#5 : vector<16xf32> to vector<1x16xf32>
      tpu.vector_store %arg14[%swap3A_412, %swap3A_413], %swap3A_416 {strides = array<i32>} : memref<128x128xf32, #tpu.memory_space<vmem>>, vector<1x16xf32>,
      %swap3A_417 = arith.index_cast %add3A_375 : i32 to index
      %swap3A_418 = arith.constant 96 : index
      %swap3A_419 = tpu.vector_load %arg14[%swap3A_417, %swap3A_418] {strides = array<i32>} : memref<128x128xf32, #tpu.memory_space<vmem>>, vector<1x16xf32>,
      %swap3A_420 = vector.shape_cast %swap3A_419 : vector<1x16xf32> to vector<16xf32>
      %swap3A_421 = vector.shape_cast %scan3A_385#6 : vector<16xf32> to vector<1x16xf32>
      tpu.vector_store %arg14[%swap3A_417, %swap3A_418], %swap3A_421 {strides = array<i32>} : memref<128x128xf32, #tpu.memory_space<vmem>>, vector<1x16xf32>,
      %swap3A_422 = arith.index_cast %add3A_375 : i32 to index
      %swap3A_423 = arith.constant 112 : index
      %swap3A_424 = tpu.vector_load %arg14[%swap3A_422, %swap3A_423] {strides = array<i32>} : memref<128x128xf32, #tpu.memory_space<vmem>>, vector<1x16xf32>,
      %swap3A_425 = vector.shape_cast %swap3A_424 : vector<1x16xf32> to vector<16xf32>
      %swap3A_426 = vector.shape_cast %scan3A_385#7 : vector<16xf32> to vector<1x16xf32>
      tpu.vector_store %arg14[%swap3A_422, %swap3A_423], %swap3A_426 {strides = array<i32>} : memref<128x128xf32, #tpu.memory_space<vmem>>, vector<1x16xf32>,
      %add3A_427 = arith.constant 6 : i32
      %add3A_428 = arith.addi %add3A_375, %add3A_427 : i32
      %lt3A_429 = arith.constant 128 : i32
      %lt3A_430 = arith.cmpi slt, %add3A_428, %lt3A_429 : i32
      %convert_element_type3A_431 = arith.extui %lt3A_430 : i1 to i32
      %cond3A_432 = arith.constant 0 : i32
      %cond3A_433 = arith.cmpi ne, %convert_element_type3A_431, %cond3A_432 : i32
      scf.if %cond3A_433 {
        %add3A_558 = arith.constant 6 : i32
        %add3A_559 = arith.addi %add3A_375, %add3A_558 : i32
        %mul3A_560 = arith.constant 104 : i32
        %mul3A_561 = arith.muli %add3A_559, %mul3A_560 : i32
        %dma_start3A_562 = tpu.memref_slice %arg7[%mul3A_561] : memref<13312xi32, #tpu.memory_space<vmem>> -> memref<100xi32, #tpu.memory_space<vmem>>
        %dma_start3A_563 = arith.constant 0 : i32
        %dma_start3A_564 = arith.constant 0 : i32
        %dma_start3A_565 = tpu.memref_slice %arg3[%dma_start3A_563, %dma_start3A_564] : memref<100000x128xf32, #tpu.memory_space<hbm>> -> memref<100000x128xf32, #tpu.memory_space<hbm>>
        tpu.enqueue_indirect_dma source(%dma_start3A_565 : memref<100000x128xf32, #tpu.memory_space<hbm>>) target(%arg11 : memref<100x128xf32, #tpu.memory_space<vmem>>) offsets(%dma_start3A_562 : memref<100xi32, #tpu.memory_space<vmem>>) semaphore(%arg19 : memref<!tpu.dma_semaphore, #tpu.memory_space<semaphore_mem>>)
      } else {
      }
      %mul3A_434 = arith.constant 6 : i32
      %mul3A_435 = arith.muli %mul3A_434, %scan3A_188 : i32
      %add3A_436 = arith.constant 4 : i32
      %add3A_437 = arith.addi %mul3A_435, %add3A_436 : i32
      %dma_wait3A_438 = arith.constant 0 : i32
      %dma_wait3A_439 = tpu.memref_slice %arg7[%dma_wait3A_438] : memref<13312xi32, #tpu.memory_space<vmem>> -> memref<100xi32, #tpu.memory_space<vmem>>
      %dma_wait3A_440 = arith.constant 0 : i32
      %dma_wait3A_441 = arith.constant 0 : i32
      %dma_wait3A_442 = tpu.memref_slice %arg3[%dma_wait3A_440, %dma_wait3A_441] : memref<100000x128xf32, #tpu.memory_space<hbm>> -> memref<100000x128xf32, #tpu.memory_space<hbm>>
      tpu.wait_indirect_dma semaphore(%arg20 : memref<!tpu.dma_semaphore, #tpu.memory_space<semaphore_mem>>) src(%dma_wait3A_442 : memref<100000x128xf32, #tpu.memory_space<hbm>>) dst(%arg12 : memref<100x128xf32, #tpu.memory_space<vmem>>)
      %scan3A_443 = arith.constant 0 : i32
      %scan3A_444 = arith.constant 100 : i32
      %scan3A_445 = arith.addi %scan3A_443, %scan3A_444 : i32
      %scan3A_446 = arith.constant 2 : i32
      %scan3A_447:8 = scf.for %scan3A_558 = %scan3A_443 to %scan3A_445 step %scan3A_446 iter_args(%scan3A_559 = %get3A_9, %scan3A_560 = %get3A_12, %scan3A_561 = %get3A_15, %scan3A_562 = %get3A_18, %scan3A_563 = %get3A_21, %scan3A_564 = %get3A_24, %scan3A_565 = %get3A_27, %scan3A_566 = %get3A_30) -> (vector<16xf32>, vector<16xf32>, vector<16xf32>, vector<16xf32>, vector<16xf32>, vector<16xf32>, vector<16xf32>, vector<16xf32>)  : i32 {
        %get3A_567 = arith.index_cast %scan3A_558 : i32 to index
        %get3A_568 = arith.constant 0 : index
        %get3A_569 = tpu.vector_load %arg12[%get3A_567, %get3A_568] {strides = array<i32>} : memref<100x128xf32, #tpu.memory_space<vmem>>, vector<1x16xf32>,
        %get3A_570 = vector.shape_cast %get3A_569 : vector<1x16xf32> to vector<16xf32>
        %add3A_571 = arith.addf %scan3A_559, %get3A_570 : vector<16xf32>
        %get3A_572 = arith.index_cast %scan3A_558 : i32 to index
        %get3A_573 = arith.constant 16 : index
        %get3A_574 = tpu.vector_load %arg12[%get3A_572, %get3A_573] {strides = array<i32>} : memref<100x128xf32, #tpu.memory_space<vmem>>, vector<1x16xf32>,
        %get3A_575 = vector.shape_cast %get3A_574 : vector<1x16xf32> to vector<16xf32>
        %add3A_576 = arith.addf %scan3A_560, %get3A_575 : vector<16xf32>
        %get3A_577 = arith.index_cast %scan3A_558 : i32 to index
        %get3A_578 = arith.constant 32 : index
        %get3A_579 = tpu.vector_load %arg12[%get3A_577, %get3A_578] {strides = array<i32>} : memref<100x128xf32, #tpu.memory_space<vmem>>, vector<1x16xf32>,
        %get3A_580 = vector.shape_cast %get3A_579 : vector<1x16xf32> to vector<16xf32>
        %add3A_581 = arith.addf %scan3A_561, %get3A_580 : vector<16xf32>
        %get3A_582 = arith.index_cast %scan3A_558 : i32 to index
        %get3A_583 = arith.constant 48 : index
        %get3A_584 = tpu.vector_load %arg12[%get3A_582, %get3A_583] {strides = array<i32>} : memref<100x128xf32, #tpu.memory_space<vmem>>, vector<1x16xf32>,
        %get3A_585 = vector.shape_cast %get3A_584 : vector<1x16xf32> to vector<16xf32>
        %add3A_586 = arith.addf %scan3A_562, %get3A_585 : vector<16xf32>
        %get3A_587 = arith.index_cast %scan3A_558 : i32 to index
        %get3A_588 = arith.constant 64 : index
        %get3A_589 = tpu.vector_load %arg12[%get3A_587, %get3A_588] {strides = array<i32>} : memref<100x128xf32, #tpu.memory_space<vmem>>, vector<1x16xf32>,
        %get3A_590 = vector.shape_cast %get3A_589 : vector<1x16xf32> to vector<16xf32>
        %add3A_591 = arith.addf %scan3A_563, %get3A_590 : vector<16xf32>
        %get3A_592 = arith.index_cast %scan3A_558 : i32 to index
        %get3A_593 = arith.constant 80 : index
        %get3A_594 = tpu.vector_load %arg12[%get3A_592, %get3A_593] {strides = array<i32>} : memref<100x128xf32, #tpu.memory_space<vmem>>, vector<1x16xf32>,
        %get3A_595 = vector.shape_cast %get3A_594 : vector<1x16xf32> to vector<16xf32>
        %add3A_596 = arith.addf %scan3A_564, %get3A_595 : vector<16xf32>
        %get3A_597 = arith.index_cast %scan3A_558 : i32 to index
        %get3A_598 = arith.constant 96 : index
        %get3A_599 = tpu.vector_load %arg12[%get3A_597, %get3A_598] {strides = array<i32>} : memref<100x128xf32, #tpu.memory_space<vmem>>, vector<1x16xf32>,
        %get3A_600 = vector.shape_cast %get3A_599 : vector<1x16xf32> to vector<16xf32>
        %add3A_601 = arith.addf %scan3A_565, %get3A_600 : vector<16xf32>
        %get3A_602 = arith.index_cast %scan3A_558 : i32 to index
        %get3A_603 = arith.constant 112 : index
        %get3A_604 = tpu.vector_load %arg12[%get3A_602, %get3A_603] {strides = array<i32>} : memref<100x128xf32, #tpu.memory_space<vmem>>, vector<1x16xf32>,
        %get3A_605 = vector.shape_cast %get3A_604 : vector<1x16xf32> to vector<16xf32>
        %add3A_606 = arith.addf %scan3A_566, %get3A_605 : vector<16xf32>
        %scan3A_607 = arith.constant 1 : i32
        %scan3A_608 = arith.addi %scan3A_558, %scan3A_607 : i32
        %get3A_609 = arith.index_cast %scan3A_608 : i32 to index
        %get3A_610 = arith.constant 0 : index
        %get3A_611 = tpu.vector_load %arg12[%get3A_609, %get3A_610] {strides = array<i32>} : memref<100x128xf32, #tpu.memory_space<vmem>>, vector<1x16xf32>,
        %get3A_612 = vector.shape_cast %get3A_611 : vector<1x16xf32> to vector<16xf32>
        %add3A_613 = arith.addf %add3A_571, %get3A_612 : vector<16xf32>
        %get3A_614 = arith.index_cast %scan3A_608 : i32 to index
        %get3A_615 = arith.constant 16 : index
        %get3A_616 = tpu.vector_load %arg12[%get3A_614, %get3A_615] {strides = array<i32>} : memref<100x128xf32, #tpu.memory_space<vmem>>, vector<1x16xf32>,
        %get3A_617 = vector.shape_cast %get3A_616 : vector<1x16xf32> to vector<16xf32>
        %add3A_618 = arith.addf %add3A_576, %get3A_617 : vector<16xf32>
        %get3A_619 = arith.index_cast %scan3A_608 : i32 to index
        %get3A_620 = arith.constant 32 : index
        %get3A_621 = tpu.vector_load %arg12[%get3A_619, %get3A_620] {strides = array<i32>} : memref<100x128xf32, #tpu.memory_space<vmem>>, vector<1x16xf32>,
        %get3A_622 = vector.shape_cast %get3A_621 : vector<1x16xf32> to vector<16xf32>
        %add3A_623 = arith.addf %add3A_581, %get3A_622 : vector<16xf32>
        %get3A_624 = arith.index_cast %scan3A_608 : i32 to index
        %get3A_625 = arith.constant 48 : index
        %get3A_626 = tpu.vector_load %arg12[%get3A_624, %get3A_625] {strides = array<i32>} : memref<100x128xf32, #tpu.memory_space<vmem>>, vector<1x16xf32>,
        %get3A_627 = vector.shape_cast %get3A_626 : vector<1x16xf32> to vector<16xf32>
        %add3A_628 = arith.addf %add3A_586, %get3A_627 : vector<16xf32>
        %get3A_629 = arith.index_cast %scan3A_608 : i32 to index
        %get3A_630 = arith.constant 64 : index
        %get3A_631 = tpu.vector_load %arg12[%get3A_629, %get3A_630] {strides = array<i32>} : memref<100x128xf32, #tpu.memory_space<vmem>>, vector<1x16xf32>,
        %get3A_632 = vector.shape_cast %get3A_631 : vector<1x16xf32> to vector<16xf32>
        %add3A_633 = arith.addf %add3A_591, %get3A_632 : vector<16xf32>
        %get3A_634 = arith.index_cast %scan3A_608 : i32 to index
        %get3A_635 = arith.constant 80 : index
        %get3A_636 = tpu.vector_load %arg12[%get3A_634, %get3A_635] {strides = array<i32>} : memref<100x128xf32, #tpu.memory_space<vmem>>, vector<1x16xf32>,
        %get3A_637 = vector.shape_cast %get3A_636 : vector<1x16xf32> to vector<16xf32>
        %add3A_638 = arith.addf %add3A_596, %get3A_637 : vector<16xf32>
        %get3A_639 = arith.index_cast %scan3A_608 : i32 to index
        %get3A_640 = arith.constant 96 : index
        %get3A_641 = tpu.vector_load %arg12[%get3A_639, %get3A_640] {strides = array<i32>} : memref<100x128xf32, #tpu.memory_space<vmem>>, vector<1x16xf32>,
        %get3A_642 = vector.shape_cast %get3A_641 : vector<1x16xf32> to vector<16xf32>
        %add3A_643 = arith.addf %add3A_601, %get3A_642 : vector<16xf32>
        %get3A_644 = arith.index_cast %scan3A_608 : i32 to index
        %get3A_645 = arith.constant 112 : index
        %get3A_646 = tpu.vector_load %arg12[%get3A_644, %get3A_645] {strides = array<i32>} : memref<100x128xf32, #tpu.memory_space<vmem>>, vector<1x16xf32>,
        %get3A_647 = vector.shape_cast %get3A_646 : vector<1x16xf32> to vector<16xf32>
        %add3A_648 = arith.addf %add3A_606, %get3A_647 : vector<16xf32>
        scf.yield %add3A_613, %add3A_618, %add3A_623, %add3A_628, %add3A_633, %add3A_638, %add3A_643, %add3A_648 : vector<16xf32>, vector<16xf32>, vector<16xf32>, vector<16xf32>, vector<16xf32>, vector<16xf32>, vector<16xf32>, vector<16xf32>
      }
      %scan3A_448 = arith.constant 100 : i32
      %swap3A_449 = arith.index_cast %add3A_437 : i32 to index
      %swap3A_450 = arith.constant 0 : index
      %swap3A_451 = tpu.vector_load %arg14[%swap3A_449, %swap3A_450] {strides = array<i32>} : memref<128x128xf32, #tpu.memory_space<vmem>>, vector<1x16xf32>,
      %swap3A_452 = vector.shape_cast %swap3A_451 : vector<1x16xf32> to vector<16xf32>
      %swap3A_453 = vector.shape_cast %scan3A_447#0 : vector<16xf32> to vector<1x16xf32>
      tpu.vector_store %arg14[%swap3A_449, %swap3A_450], %swap3A_453 {strides = array<i32>} : memref<128x128xf32, #tpu.memory_space<vmem>>, vector<1x16xf32>,
      %swap3A_454 = arith.index_cast %add3A_437 : i32 to index
      %swap3A_455 = arith.constant 16 : index
      %swap3A_456 = tpu.vector_load %arg14[%swap3A_454, %swap3A_455] {strides = array<i32>} : memref<128x128xf32, #tpu.memory_space<vmem>>, vector<1x16xf32>,
      %swap3A_457 = vector.shape_cast %swap3A_456 : vector<1x16xf32> to vector<16xf32>
      %swap3A_458 = vector.shape_cast %scan3A_447#1 : vector<16xf32> to vector<1x16xf32>
      tpu.vector_store %arg14[%swap3A_454, %swap3A_455], %swap3A_458 {strides = array<i32>} : memref<128x128xf32, #tpu.memory_space<vmem>>, vector<1x16xf32>,
      %swap3A_459 = arith.index_cast %add3A_437 : i32 to index
      %swap3A_460 = arith.constant 32 : index
      %swap3A_461 = tpu.vector_load %arg14[%swap3A_459, %swap3A_460] {strides = array<i32>} : memref<128x128xf32, #tpu.memory_space<vmem>>, vector<1x16xf32>,
      %swap3A_462 = vector.shape_cast %swap3A_461 : vector<1x16xf32> to vector<16xf32>
      %swap3A_463 = vector.shape_cast %scan3A_447#2 : vector<16xf32> to vector<1x16xf32>
      tpu.vector_store %arg14[%swap3A_459, %swap3A_460], %swap3A_463 {strides = array<i32>} : memref<128x128xf32, #tpu.memory_space<vmem>>, vector<1x16xf32>,
      %swap3A_464 = arith.index_cast %add3A_437 : i32 to index
      %swap3A_465 = arith.constant 48 : index
      %swap3A_466 = tpu.vector_load %arg14[%swap3A_464, %swap3A_465] {strides = array<i32>} : memref<128x128xf32, #tpu.memory_space<vmem>>, vector<1x16xf32>,
      %swap3A_467 = vector.shape_cast %swap3A_466 : vector<1x16xf32> to vector<16xf32>
      %swap3A_468 = vector.shape_cast %scan3A_447#3 : vector<16xf32> to vector<1x16xf32>
      tpu.vector_store %arg14[%swap3A_464, %swap3A_465], %swap3A_468 {strides = array<i32>} : memref<128x128xf32, #tpu.memory_space<vmem>>, vector<1x16xf32>,
      %swap3A_469 = arith.index_cast %add3A_437 : i32 to index
      %swap3A_470 = arith.constant 64 : index
      %swap3A_471 = tpu.vector_load %arg14[%swap3A_469, %swap3A_470] {strides = array<i32>} : memref<128x128xf32, #tpu.memory_space<vmem>>, vector<1x16xf32>,
      %swap3A_472 = vector.shape_cast %swap3A_471 : vector<1x16xf32> to vector<16xf32>
      %swap3A_473 = vector.shape_cast %scan3A_447#4 : vector<16xf32> to vector<1x16xf32>
      tpu.vector_store %arg14[%swap3A_469, %swap3A_470], %swap3A_473 {strides = array<i32>} : memref<128x128xf32, #tpu.memory_space<vmem>>, vector<1x16xf32>,
      %swap3A_474 = arith.index_cast %add3A_437 : i32 to index
      %swap3A_475 = arith.constant 80 : index
      %swap3A_476 = tpu.vector_load %arg14[%swap3A_474, %swap3A_475] {strides = array<i32>} : memref<128x128xf32, #tpu.memory_space<vmem>>, vector<1x16xf32>,
      %swap3A_477 = vector.shape_cast %swap3A_476 : vector<1x16xf32> to vector<16xf32>
      %swap3A_478 = vector.shape_cast %scan3A_447#5 : vector<16xf32> to vector<1x16xf32>
      tpu.vector_store %arg14[%swap3A_474, %swap3A_475], %swap3A_478 {strides = array<i32>} : memref<128x128xf32, #tpu.memory_space<vmem>>, vector<1x16xf32>,
      %swap3A_479 = arith.index_cast %add3A_437 : i32 to index
      %swap3A_480 = arith.constant 96 : index
      %swap3A_481 = tpu.vector_load %arg14[%swap3A_479, %swap3A_480] {strides = array<i32>} : memref<128x128xf32, #tpu.memory_space<vmem>>, vector<1x16xf32>,
      %swap3A_482 = vector.shape_cast %swap3A_481 : vector<1x16xf32> to vector<16xf32>
      %swap3A_483 = vector.shape_cast %scan3A_447#6 : vector<16xf32> to vector<1x16xf32>
      tpu.vector_store %arg14[%swap3A_479, %swap3A_480], %swap3A_483 {strides = array<i32>} : memref<128x128xf32, #tpu.memory_space<vmem>>, vector<1x16xf32>,
      %swap3A_484 = arith.index_cast %add3A_437 : i32 to index
      %swap3A_485 = arith.constant 112 : index
      %swap3A_486 = tpu.vector_load %arg14[%swap3A_484, %swap3A_485] {strides = array<i32>} : memref<128x128xf32, #tpu.memory_space<vmem>>, vector<1x16xf32>,
      %swap3A_487 = vector.shape_cast %swap3A_486 : vector<1x16xf32> to vector<16xf32>
      %swap3A_488 = vector.shape_cast %scan3A_447#7 : vector<16xf32> to vector<1x16xf32>
      tpu.vector_store %arg14[%swap3A_484, %swap3A_485], %swap3A_488 {strides = array<i32>} : memref<128x128xf32, #tpu.memory_space<vmem>>, vector<1x16xf32>,
      %add3A_489 = arith.constant 6 : i32
      %add3A_490 = arith.addi %add3A_437, %add3A_489 : i32
      %lt3A_491 = arith.constant 128 : i32
      %lt3A_492 = arith.cmpi slt, %add3A_490, %lt3A_491 : i32
      %convert_element_type3A_493 = arith.extui %lt3A_492 : i1 to i32
      %cond3A_494 = arith.constant 0 : i32
      %cond3A_495 = arith.cmpi ne, %convert_element_type3A_493, %cond3A_494 : i32
      scf.if %cond3A_495 {
        %add3A_558 = arith.constant 6 : i32
        %add3A_559 = arith.addi %add3A_437, %add3A_558 : i32
        %mul3A_560 = arith.constant 104 : i32
        %mul3A_561 = arith.muli %add3A_559, %mul3A_560 : i32
        %dma_start3A_562 = tpu.memref_slice %arg7[%mul3A_561] : memref<13312xi32, #tpu.memory_space<vmem>> -> memref<100xi32, #tpu.memory_space<vmem>>
        %dma_start3A_563 = arith.constant 0 : i32
        %dma_start3A_564 = arith.constant 0 : i32
        %dma_start3A_565 = tpu.memref_slice %arg3[%dma_start3A_563, %dma_start3A_564] : memref<100000x128xf32, #tpu.memory_space<hbm>> -> memref<100000x128xf32, #tpu.memory_space<hbm>>
        tpu.enqueue_indirect_dma source(%dma_start3A_565 : memref<100000x128xf32, #tpu.memory_space<hbm>>) target(%arg12 : memref<100x128xf32, #tpu.memory_space<vmem>>) offsets(%dma_start3A_562 : memref<100xi32, #tpu.memory_space<vmem>>) semaphore(%arg20 : memref<!tpu.dma_semaphore, #tpu.memory_space<semaphore_mem>>)
      } else {
      }
      %mul3A_496 = arith.constant 6 : i32
      %mul3A_497 = arith.muli %mul3A_496, %scan3A_188 : i32
      %add3A_498 = arith.constant 5 : i32
      %add3A_499 = arith.addi %mul3A_497, %add3A_498 : i32
      %dma_wait3A_500 = arith.constant 0 : i32
      %dma_wait3A_501 = tpu.memref_slice %arg7[%dma_wait3A_500] : memref<13312xi32, #tpu.memory_space<vmem>> -> memref<100xi32, #tpu.memory_space<vmem>>
      %dma_wait3A_502 = arith.constant 0 : i32
      %dma_wait3A_503 = arith.constant 0 : i32
      %dma_wait3A_504 = tpu.memref_slice %arg3[%dma_wait3A_502, %dma_wait3A_503] : memref<100000x128xf32, #tpu.memory_space<hbm>> -> memref<100000x128xf32, #tpu.memory_space<hbm>>
      tpu.wait_indirect_dma semaphore(%arg21 : memref<!tpu.dma_semaphore, #tpu.memory_space<semaphore_mem>>) src(%dma_wait3A_504 : memref<100000x128xf32, #tpu.memory_space<hbm>>) dst(%arg13 : memref<100x128xf32, #tpu.memory_space<vmem>>)
      %scan3A_505 = arith.constant 0 : i32
      %scan3A_506 = arith.constant 100 : i32
      %scan3A_507 = arith.addi %scan3A_505, %scan3A_506 : i32
      %scan3A_508 = arith.constant 2 : i32
      %scan3A_509:8 = scf.for %scan3A_558 = %scan3A_505 to %scan3A_507 step %scan3A_508 iter_args(%scan3A_559 = %get3A_9, %scan3A_560 = %get3A_12, %scan3A_561 = %get3A_15, %scan3A_562 = %get3A_18, %scan3A_563 = %get3A_21, %scan3A_564 = %get3A_24, %scan3A_565 = %get3A_27, %scan3A_566 = %get3A_30) -> (vector<16xf32>, vector<16xf32>, vector<16xf32>, vector<16xf32>, vector<16xf32>, vector<16xf32>, vector<16xf32>, vector<16xf32>)  : i32 {
        %get3A_567 = arith.index_cast %scan3A_558 : i32 to index
        %get3A_568 = arith.constant 0 : index
        %get3A_569 = tpu.vector_load %arg13[%get3A_567, %get3A_568] {strides = array<i32>} : memref<100x128xf32, #tpu.memory_space<vmem>>, vector<1x16xf32>,
        %get3A_570 = vector.shape_cast %get3A_569 : vector<1x16xf32> to vector<16xf32>
        %add3A_571 = arith.addf %scan3A_559, %get3A_570 : vector<16xf32>
        %get3A_572 = arith.index_cast %scan3A_558 : i32 to index
        %get3A_573 = arith.constant 16 : index
        %get3A_574 = tpu.vector_load %arg13[%get3A_572, %get3A_573] {strides = array<i32>} : memref<100x128xf32, #tpu.memory_space<vmem>>, vector<1x16xf32>,
        %get3A_575 = vector.shape_cast %get3A_574 : vector<1x16xf32> to vector<16xf32>
        %add3A_576 = arith.addf %scan3A_560, %get3A_575 : vector<16xf32>
        %get3A_577 = arith.index_cast %scan3A_558 : i32 to index
        %get3A_578 = arith.constant 32 : index
        %get3A_579 = tpu.vector_load %arg13[%get3A_577, %get3A_578] {strides = array<i32>} : memref<100x128xf32, #tpu.memory_space<vmem>>, vector<1x16xf32>,
        %get3A_580 = vector.shape_cast %get3A_579 : vector<1x16xf32> to vector<16xf32>
        %add3A_581 = arith.addf %scan3A_561, %get3A_580 : vector<16xf32>
        %get3A_582 = arith.index_cast %scan3A_558 : i32 to index
        %get3A_583 = arith.constant 48 : index
        %get3A_584 = tpu.vector_load %arg13[%get3A_582, %get3A_583] {strides = array<i32>} : memref<100x128xf32, #tpu.memory_space<vmem>>, vector<1x16xf32>,
        %get3A_585 = vector.shape_cast %get3A_584 : vector<1x16xf32> to vector<16xf32>
        %add3A_586 = arith.addf %scan3A_562, %get3A_585 : vector<16xf32>
        %get3A_587 = arith.index_cast %scan3A_558 : i32 to index
        %get3A_588 = arith.constant 64 : index
        %get3A_589 = tpu.vector_load %arg13[%get3A_587, %get3A_588] {strides = array<i32>} : memref<100x128xf32, #tpu.memory_space<vmem>>, vector<1x16xf32>,
        %get3A_590 = vector.shape_cast %get3A_589 : vector<1x16xf32> to vector<16xf32>
        %add3A_591 = arith.addf %scan3A_563, %get3A_590 : vector<16xf32>
        %get3A_592 = arith.index_cast %scan3A_558 : i32 to index
        %get3A_593 = arith.constant 80 : index
        %get3A_594 = tpu.vector_load %arg13[%get3A_592, %get3A_593] {strides = array<i32>} : memref<100x128xf32, #tpu.memory_space<vmem>>, vector<1x16xf32>,
        %get3A_595 = vector.shape_cast %get3A_594 : vector<1x16xf32> to vector<16xf32>
        %add3A_596 = arith.addf %scan3A_564, %get3A_595 : vector<16xf32>
        %get3A_597 = arith.index_cast %scan3A_558 : i32 to index
        %get3A_598 = arith.constant 96 : index
        %get3A_599 = tpu.vector_load %arg13[%get3A_597, %get3A_598] {strides = array<i32>} : memref<100x128xf32, #tpu.memory_space<vmem>>, vector<1x16xf32>,
        %get3A_600 = vector.shape_cast %get3A_599 : vector<1x16xf32> to vector<16xf32>
        %add3A_601 = arith.addf %scan3A_565, %get3A_600 : vector<16xf32>
        %get3A_602 = arith.index_cast %scan3A_558 : i32 to index
        %get3A_603 = arith.constant 112 : index
        %get3A_604 = tpu.vector_load %arg13[%get3A_602, %get3A_603] {strides = array<i32>} : memref<100x128xf32, #tpu.memory_space<vmem>>, vector<1x16xf32>,
        %get3A_605 = vector.shape_cast %get3A_604 : vector<1x16xf32> to vector<16xf32>
        %add3A_606 = arith.addf %scan3A_566, %get3A_605 : vector<16xf32>
        %scan3A_607 = arith.constant 1 : i32
        %scan3A_608 = arith.addi %scan3A_558, %scan3A_607 : i32
        %get3A_609 = arith.index_cast %scan3A_608 : i32 to index
        %get3A_610 = arith.constant 0 : index
        %get3A_611 = tpu.vector_load %arg13[%get3A_609, %get3A_610] {strides = array<i32>} : memref<100x128xf32, #tpu.memory_space<vmem>>, vector<1x16xf32>,
        %get3A_612 = vector.shape_cast %get3A_611 : vector<1x16xf32> to vector<16xf32>
        %add3A_613 = arith.addf %add3A_571, %get3A_612 : vector<16xf32>
        %get3A_614 = arith.index_cast %scan3A_608 : i32 to index
        %get3A_615 = arith.constant 16 : index
        %get3A_616 = tpu.vector_load %arg13[%get3A_614, %get3A_615] {strides = array<i32>} : memref<100x128xf32, #tpu.memory_space<vmem>>, vector<1x16xf32>,
        %get3A_617 = vector.shape_cast %get3A_616 : vector<1x16xf32> to vector<16xf32>
        %add3A_618 = arith.addf %add3A_576, %get3A_617 : vector<16xf32>
        %get3A_619 = arith.index_cast %scan3A_608 : i32 to index
        %get3A_620 = arith.constant 32 : index
        %get3A_621 = tpu.vector_load %arg13[%get3A_619, %get3A_620] {strides = array<i32>} : memref<100x128xf32, #tpu.memory_space<vmem>>, vector<1x16xf32>,
        %get3A_622 = vector.shape_cast %get3A_621 : vector<1x16xf32> to vector<16xf32>
        %add3A_623 = arith.addf %add3A_581, %get3A_622 : vector<16xf32>
        %get3A_624 = arith.index_cast %scan3A_608 : i32 to index
        %get3A_625 = arith.constant 48 : index
        %get3A_626 = tpu.vector_load %arg13[%get3A_624, %get3A_625] {strides = array<i32>} : memref<100x128xf32, #tpu.memory_space<vmem>>, vector<1x16xf32>,
        %get3A_627 = vector.shape_cast %get3A_626 : vector<1x16xf32> to vector<16xf32>
        %add3A_628 = arith.addf %add3A_586, %get3A_627 : vector<16xf32>
        %get3A_629 = arith.index_cast %scan3A_608 : i32 to index
        %get3A_630 = arith.constant 64 : index
        %get3A_631 = tpu.vector_load %arg13[%get3A_629, %get3A_630] {strides = array<i32>} : memref<100x128xf32, #tpu.memory_space<vmem>>, vector<1x16xf32>,
        %get3A_632 = vector.shape_cast %get3A_631 : vector<1x16xf32> to vector<16xf32>
        %add3A_633 = arith.addf %add3A_591, %get3A_632 : vector<16xf32>
        %get3A_634 = arith.index_cast %scan3A_608 : i32 to index
        %get3A_635 = arith.constant 80 : index
        %get3A_636 = tpu.vector_load %arg13[%get3A_634, %get3A_635] {strides = array<i32>} : memref<100x128xf32, #tpu.memory_space<vmem>>, vector<1x16xf32>,
        %get3A_637 = vector.shape_cast %get3A_636 : vector<1x16xf32> to vector<16xf32>
        %add3A_638 = arith.addf %add3A_596, %get3A_637 : vector<16xf32>
        %get3A_639 = arith.index_cast %scan3A_608 : i32 to index
        %get3A_640 = arith.constant 96 : index
        %get3A_641 = tpu.vector_load %arg13[%get3A_639, %get3A_640] {strides = array<i32>} : memref<100x128xf32, #tpu.memory_space<vmem>>, vector<1x16xf32>,
        %get3A_642 = vector.shape_cast %get3A_641 : vector<1x16xf32> to vector<16xf32>
        %add3A_643 = arith.addf %add3A_601, %get3A_642 : vector<16xf32>
        %get3A_644 = arith.index_cast %scan3A_608 : i32 to index
        %get3A_645 = arith.constant 112 : index
        %get3A_646 = tpu.vector_load %arg13[%get3A_644, %get3A_645] {strides = array<i32>} : memref<100x128xf32, #tpu.memory_space<vmem>>, vector<1x16xf32>,
        %get3A_647 = vector.shape_cast %get3A_646 : vector<1x16xf32> to vector<16xf32>
        %add3A_648 = arith.addf %add3A_606, %get3A_647 : vector<16xf32>
        scf.yield %add3A_613, %add3A_618, %add3A_623, %add3A_628, %add3A_633, %add3A_638, %add3A_643, %add3A_648 : vector<16xf32>, vector<16xf32>, vector<16xf32>, vector<16xf32>, vector<16xf32>, vector<16xf32>, vector<16xf32>, vector<16xf32>
      }
      %scan3A_510 = arith.constant 100 : i32
      %swap3A_511 = arith.index_cast %add3A_499 : i32 to index
      %swap3A_512 = arith.constant 0 : index
      %swap3A_513 = tpu.vector_load %arg14[%swap3A_511, %swap3A_512] {strides = array<i32>} : memref<128x128xf32, #tpu.memory_space<vmem>>, vector<1x16xf32>,
      %swap3A_514 = vector.shape_cast %swap3A_513 : vector<1x16xf32> to vector<16xf32>
      %swap3A_515 = vector.shape_cast %scan3A_509#0 : vector<16xf32> to vector<1x16xf32>
      tpu.vector_store %arg14[%swap3A_511, %swap3A_512], %swap3A_515 {strides = array<i32>} : memref<128x128xf32, #tpu.memory_space<vmem>>, vector<1x16xf32>,
      %swap3A_516 = arith.index_cast %add3A_499 : i32 to index
      %swap3A_517 = arith.constant 16 : index
      %swap3A_518 = tpu.vector_load %arg14[%swap3A_516, %swap3A_517] {strides = array<i32>} : memref<128x128xf32, #tpu.memory_space<vmem>>, vector<1x16xf32>,
      %swap3A_519 = vector.shape_cast %swap3A_518 : vector<1x16xf32> to vector<16xf32>
      %swap3A_520 = vector.shape_cast %scan3A_509#1 : vector<16xf32> to vector<1x16xf32>
      tpu.vector_store %arg14[%swap3A_516, %swap3A_517], %swap3A_520 {strides = array<i32>} : memref<128x128xf32, #tpu.memory_space<vmem>>, vector<1x16xf32>,
      %swap3A_521 = arith.index_cast %add3A_499 : i32 to index
      %swap3A_522 = arith.constant 32 : index
      %swap3A_523 = tpu.vector_load %arg14[%swap3A_521, %swap3A_522] {strides = array<i32>} : memref<128x128xf32, #tpu.memory_space<vmem>>, vector<1x16xf32>,
      %swap3A_524 = vector.shape_cast %swap3A_523 : vector<1x16xf32> to vector<16xf32>
      %swap3A_525 = vector.shape_cast %scan3A_509#2 : vector<16xf32> to vector<1x16xf32>
      tpu.vector_store %arg14[%swap3A_521, %swap3A_522], %swap3A_525 {strides = array<i32>} : memref<128x128xf32, #tpu.memory_space<vmem>>, vector<1x16xf32>,
      %swap3A_526 = arith.index_cast %add3A_499 : i32 to index
      %swap3A_527 = arith.constant 48 : index
      %swap3A_528 = tpu.vector_load %arg14[%swap3A_526, %swap3A_527] {strides = array<i32>} : memref<128x128xf32, #tpu.memory_space<vmem>>, vector<1x16xf32>,
      %swap3A_529 = vector.shape_cast %swap3A_528 : vector<1x16xf32> to vector<16xf32>
      %swap3A_530 = vector.shape_cast %scan3A_509#3 : vector<16xf32> to vector<1x16xf32>
      tpu.vector_store %arg14[%swap3A_526, %swap3A_527], %swap3A_530 {strides = array<i32>} : memref<128x128xf32, #tpu.memory_space<vmem>>, vector<1x16xf32>,
      %swap3A_531 = arith.index_cast %add3A_499 : i32 to index
      %swap3A_532 = arith.constant 64 : index
      %swap3A_533 = tpu.vector_load %arg14[%swap3A_531, %swap3A_532] {strides = array<i32>} : memref<128x128xf32, #tpu.memory_space<vmem>>, vector<1x16xf32>,
      %swap3A_534 = vector.shape_cast %swap3A_533 : vector<1x16xf32> to vector<16xf32>
      %swap3A_535 = vector.shape_cast %scan3A_509#4 : vector<16xf32> to vector<1x16xf32>
      tpu.vector_store %arg14[%swap3A_531, %swap3A_532], %swap3A_535 {strides = array<i32>} : memref<128x128xf32, #tpu.memory_space<vmem>>, vector<1x16xf32>,
      %swap3A_536 = arith.index_cast %add3A_499 : i32 to index
      %swap3A_537 = arith.constant 80 : index
      %swap3A_538 = tpu.vector_load %arg14[%swap3A_536, %swap3A_537] {strides = array<i32>} : memref<128x128xf32, #tpu.memory_space<vmem>>, vector<1x16xf32>,
      %swap3A_539 = vector.shape_cast %swap3A_538 : vector<1x16xf32> to vector<16xf32>
      %swap3A_540 = vector.shape_cast %scan3A_509#5 : vector<16xf32> to vector<1x16xf32>
      tpu.vector_store %arg14[%swap3A_536, %swap3A_537], %swap3A_540 {strides = array<i32>} : memref<128x128xf32, #tpu.memory_space<vmem>>, vector<1x16xf32>,
      %swap3A_541 = arith.index_cast %add3A_499 : i32 to index
      %swap3A_542 = arith.constant 96 : index
      %swap3A_543 = tpu.vector_load %arg14[%swap3A_541, %swap3A_542] {strides = array<i32>} : memref<128x128xf32, #tpu.memory_space<vmem>>, vector<1x16xf32>,
      %swap3A_544 = vector.shape_cast %swap3A_543 : vector<1x16xf32> to vector<16xf32>
      %swap3A_545 = vector.shape_cast %scan3A_509#6 : vector<16xf32> to vector<1x16xf32>
      tpu.vector_store %arg14[%swap3A_541, %swap3A_542], %swap3A_545 {strides = array<i32>} : memref<128x128xf32, #tpu.memory_space<vmem>>, vector<1x16xf32>,
      %swap3A_546 = arith.index_cast %add3A_499 : i32 to index
      %swap3A_547 = arith.constant 112 : index
      %swap3A_548 = tpu.vector_load %arg14[%swap3A_546, %swap3A_547] {strides = array<i32>} : memref<128x128xf32, #tpu.memory_space<vmem>>, vector<1x16xf32>,
      %swap3A_549 = vector.shape_cast %swap3A_548 : vector<1x16xf32> to vector<16xf32>
      %swap3A_550 = vector.shape_cast %scan3A_509#7 : vector<16xf32> to vector<1x16xf32>
      tpu.vector_store %arg14[%swap3A_546, %swap3A_547], %swap3A_550 {strides = array<i32>} : memref<128x128xf32, #tpu.memory_space<vmem>>, vector<1x16xf32>,
      %add3A_551 = arith.constant 6 : i32
      %add3A_552 = arith.addi %add3A_499, %add3A_551 : i32
      %lt3A_553 = arith.constant 128 : i32
      %lt3A_554 = arith.cmpi slt, %add3A_552, %lt3A_553 : i32
      %convert_element_type3A_555 = arith.extui %lt3A_554 : i1 to i32
      %cond3A_556 = arith.constant 0 : i32
      %cond3A_557 = arith.cmpi ne, %convert_element_type3A_555, %cond3A_556 : i32
      scf.if %cond3A_557 {
        %add3A_558 = arith.constant 6 : i32
        %add3A_559 = arith.addi %add3A_499, %add3A_558 : i32
        %mul3A_560 = arith.constant 104 : i32
        %mul3A_561 = arith.muli %add3A_559, %mul3A_560 : i32
        %dma_start3A_562 = tpu.memref_slice %arg7[%mul3A_561] : memref<13312xi32, #tpu.memory_space<vmem>> -> memref<100xi32, #tpu.memory_space<vmem>>
        %dma_start3A_563 = arith.constant 0 : i32
        %dma_start3A_564 = arith.constant 0 : i32
        %dma_start3A_565 = tpu.memref_slice %arg3[%dma_start3A_563, %dma_start3A_564] : memref<100000x128xf32, #tpu.memory_space<hbm>> -> memref<100000x128xf32, #tpu.memory_space<hbm>>
        tpu.enqueue_indirect_dma source(%dma_start3A_565 : memref<100000x128xf32, #tpu.memory_space<hbm>>) target(%arg13 : memref<100x128xf32, #tpu.memory_space<vmem>>) offsets(%dma_start3A_562 : memref<100xi32, #tpu.memory_space<vmem>>) semaphore(%arg21 : memref<!tpu.dma_semaphore, #tpu.memory_space<semaphore_mem>>)
      } else {
      }
    }
    %scan3A_71 = arith.constant 21 : i32
    %dma_wait3A = arith.constant 0 : i32
    %dma_wait3A_72 = tpu.memref_slice %arg7[%dma_wait3A] : memref<13312xi32, #tpu.memory_space<vmem>> -> memref<100xi32, #tpu.memory_space<vmem>>
    %dma_wait3A_73 = arith.constant 0 : i32
    %dma_wait3A_74 = arith.constant 0 : i32
    %dma_wait3A_75 = tpu.memref_slice %arg3[%dma_wait3A_73, %dma_wait3A_74] : memref<100000x128xf32, #tpu.memory_space<hbm>> -> memref<100000x128xf32, #tpu.memory_space<hbm>>
    tpu.wait_indirect_dma semaphore(%arg16 : memref<!tpu.dma_semaphore, #tpu.memory_space<semaphore_mem>>) src(%dma_wait3A_75 : memref<100000x128xf32, #tpu.memory_space<hbm>>) dst(%arg8 : memref<100x128xf32, #tpu.memory_space<vmem>>)
    %scan3A_76 = arith.constant 0 : i32
    %scan3A_77 = arith.constant 100 : i32
    %scan3A_78 = arith.addi %scan3A_76, %scan3A_77 : i32
    %scan3A_79 = arith.constant 2 : i32
    %scan3A_80:8 = scf.for %scan3A_188 = %scan3A_76 to %scan3A_78 step %scan3A_79 iter_args(%scan3A_189 = %get3A_9, %scan3A_190 = %get3A_12, %scan3A_191 = %get3A_15, %scan3A_192 = %get3A_18, %scan3A_193 = %get3A_21, %scan3A_194 = %get3A_24, %scan3A_195 = %get3A_27, %scan3A_196 = %get3A_30) -> (vector<16xf32>, vector<16xf32>, vector<16xf32>, vector<16xf32>, vector<16xf32>, vector<16xf32>, vector<16xf32>, vector<16xf32>)  : i32 {
      %get3A_197 = arith.index_cast %scan3A_188 : i32 to index
      %get3A_198 = arith.constant 0 : index
      %get3A_199 = tpu.vector_load %arg8[%get3A_197, %get3A_198] {strides = array<i32>} : memref<100x128xf32, #tpu.memory_space<vmem>>, vector<1x16xf32>,
      %get3A_200 = vector.shape_cast %get3A_199 : vector<1x16xf32> to vector<16xf32>
      %add3A_201 = arith.addf %scan3A_189, %get3A_200 : vector<16xf32>
      %get3A_202 = arith.index_cast %scan3A_188 : i32 to index
      %get3A_203 = arith.constant 16 : index
      %get3A_204 = tpu.vector_load %arg8[%get3A_202, %get3A_203] {strides = array<i32>} : memref<100x128xf32, #tpu.memory_space<vmem>>, vector<1x16xf32>,
      %get3A_205 = vector.shape_cast %get3A_204 : vector<1x16xf32> to vector<16xf32>
      %add3A_206 = arith.addf %scan3A_190, %get3A_205 : vector<16xf32>
      %get3A_207 = arith.index_cast %scan3A_188 : i32 to index
      %get3A_208 = arith.constant 32 : index
      %get3A_209 = tpu.vector_load %arg8[%get3A_207, %get3A_208] {strides = array<i32>} : memref<100x128xf32, #tpu.memory_space<vmem>>, vector<1x16xf32>,
      %get3A_210 = vector.shape_cast %get3A_209 : vector<1x16xf32> to vector<16xf32>
      %add3A_211 = arith.addf %scan3A_191, %get3A_210 : vector<16xf32>
      %get3A_212 = arith.index_cast %scan3A_188 : i32 to index
      %get3A_213 = arith.constant 48 : index
      %get3A_214 = tpu.vector_load %arg8[%get3A_212, %get3A_213] {strides = array<i32>} : memref<100x128xf32, #tpu.memory_space<vmem>>, vector<1x16xf32>,
      %get3A_215 = vector.shape_cast %get3A_214 : vector<1x16xf32> to vector<16xf32>
      %add3A_216 = arith.addf %scan3A_192, %get3A_215 : vector<16xf32>
      %get3A_217 = arith.index_cast %scan3A_188 : i32 to index
      %get3A_218 = arith.constant 64 : index
      %get3A_219 = tpu.vector_load %arg8[%get3A_217, %get3A_218] {strides = array<i32>} : memref<100x128xf32, #tpu.memory_space<vmem>>, vector<1x16xf32>,
      %get3A_220 = vector.shape_cast %get3A_219 : vector<1x16xf32> to vector<16xf32>
      %add3A_221 = arith.addf %scan3A_193, %get3A_220 : vector<16xf32>
      %get3A_222 = arith.index_cast %scan3A_188 : i32 to index
      %get3A_223 = arith.constant 80 : index
      %get3A_224 = tpu.vector_load %arg8[%get3A_222, %get3A_223] {strides = array<i32>} : memref<100x128xf32, #tpu.memory_space<vmem>>, vector<1x16xf32>,
      %get3A_225 = vector.shape_cast %get3A_224 : vector<1x16xf32> to vector<16xf32>
      %add3A_226 = arith.addf %scan3A_194, %get3A_225 : vector<16xf32>
      %get3A_227 = arith.index_cast %scan3A_188 : i32 to index
      %get3A_228 = arith.constant 96 : index
      %get3A_229 = tpu.vector_load %arg8[%get3A_227, %get3A_228] {strides = array<i32>} : memref<100x128xf32, #tpu.memory_space<vmem>>, vector<1x16xf32>,
      %get3A_230 = vector.shape_cast %get3A_229 : vector<1x16xf32> to vector<16xf32>
      %add3A_231 = arith.addf %scan3A_195, %get3A_230 : vector<16xf32>
      %get3A_232 = arith.index_cast %scan3A_188 : i32 to index
      %get3A_233 = arith.constant 112 : index
      %get3A_234 = tpu.vector_load %arg8[%get3A_232, %get3A_233] {strides = array<i32>} : memref<100x128xf32, #tpu.memory_space<vmem>>, vector<1x16xf32>,
      %get3A_235 = vector.shape_cast %get3A_234 : vector<1x16xf32> to vector<16xf32>
      %add3A_236 = arith.addf %scan3A_196, %get3A_235 : vector<16xf32>
      %scan3A_237 = arith.constant 1 : i32
      %scan3A_238 = arith.addi %scan3A_188, %scan3A_237 : i32
      %get3A_239 = arith.index_cast %scan3A_238 : i32 to index
      %get3A_240 = arith.constant 0 : index
      %get3A_241 = tpu.vector_load %arg8[%get3A_239, %get3A_240] {strides = array<i32>} : memref<100x128xf32, #tpu.memory_space<vmem>>, vector<1x16xf32>,
      %get3A_242 = vector.shape_cast %get3A_241 : vector<1x16xf32> to vector<16xf32>
      %add3A_243 = arith.addf %add3A_201, %get3A_242 : vector<16xf32>
      %get3A_244 = arith.index_cast %scan3A_238 : i32 to index
      %get3A_245 = arith.constant 16 : index
      %get3A_246 = tpu.vector_load %arg8[%get3A_244, %get3A_245] {strides = array<i32>} : memref<100x128xf32, #tpu.memory_space<vmem>>, vector<1x16xf32>,
      %get3A_247 = vector.shape_cast %get3A_246 : vector<1x16xf32> to vector<16xf32>
      %add3A_248 = arith.addf %add3A_206, %get3A_247 : vector<16xf32>
      %get3A_249 = arith.index_cast %scan3A_238 : i32 to index
      %get3A_250 = arith.constant 32 : index
      %get3A_251 = tpu.vector_load %arg8[%get3A_249, %get3A_250] {strides = array<i32>} : memref<100x128xf32, #tpu.memory_space<vmem>>, vector<1x16xf32>,
      %get3A_252 = vector.shape_cast %get3A_251 : vector<1x16xf32> to vector<16xf32>
      %add3A_253 = arith.addf %add3A_211, %get3A_252 : vector<16xf32>
      %get3A_254 = arith.index_cast %scan3A_238 : i32 to index
      %get3A_255 = arith.constant 48 : index
      %get3A_256 = tpu.vector_load %arg8[%get3A_254, %get3A_255] {strides = array<i32>} : memref<100x128xf32, #tpu.memory_space<vmem>>, vector<1x16xf32>,
      %get3A_257 = vector.shape_cast %get3A_256 : vector<1x16xf32> to vector<16xf32>
      %add3A_258 = arith.addf %add3A_216, %get3A_257 : vector<16xf32>
      %get3A_259 = arith.index_cast %scan3A_238 : i32 to index
      %get3A_260 = arith.constant 64 : index
      %get3A_261 = tpu.vector_load %arg8[%get3A_259, %get3A_260] {strides = array<i32>} : memref<100x128xf32, #tpu.memory_space<vmem>>, vector<1x16xf32>,
      %get3A_262 = vector.shape_cast %get3A_261 : vector<1x16xf32> to vector<16xf32>
      %add3A_263 = arith.addf %add3A_221, %get3A_262 : vector<16xf32>
      %get3A_264 = arith.index_cast %scan3A_238 : i32 to index
      %get3A_265 = arith.constant 80 : index
      %get3A_266 = tpu.vector_load %arg8[%get3A_264, %get3A_265] {strides = array<i32>} : memref<100x128xf32, #tpu.memory_space<vmem>>, vector<1x16xf32>,
      %get3A_267 = vector.shape_cast %get3A_266 : vector<1x16xf32> to vector<16xf32>
      %add3A_268 = arith.addf %add3A_226, %get3A_267 : vector<16xf32>
      %get3A_269 = arith.index_cast %scan3A_238 : i32 to index
      %get3A_270 = arith.constant 96 : index
      %get3A_271 = tpu.vector_load %arg8[%get3A_269, %get3A_270] {strides = array<i32>} : memref<100x128xf32, #tpu.memory_space<vmem>>, vector<1x16xf32>,
      %get3A_272 = vector.shape_cast %get3A_271 : vector<1x16xf32> to vector<16xf32>
      %add3A_273 = arith.addf %add3A_231, %get3A_272 : vector<16xf32>
      %get3A_274 = arith.index_cast %scan3A_238 : i32 to index
      %get3A_275 = arith.constant 112 : index
      %get3A_276 = tpu.vector_load %arg8[%get3A_274, %get3A_275] {strides = array<i32>} : memref<100x128xf32, #tpu.memory_space<vmem>>, vector<1x16xf32>,
      %get3A_277 = vector.shape_cast %get3A_276 : vector<1x16xf32> to vector<16xf32>
      %add3A_278 = arith.addf %add3A_236, %get3A_277 : vector<16xf32>
      scf.yield %add3A_243, %add3A_248, %add3A_253, %add3A_258, %add3A_263, %add3A_268, %add3A_273, %add3A_278 : vector<16xf32>, vector<16xf32>, vector<16xf32>, vector<16xf32>, vector<16xf32>, vector<16xf32>, vector<16xf32>, vector<16xf32>
    }
    %scan3A_81 = arith.constant 100 : i32
    %swap3A = arith.constant 126 : i32
    %swap3A_82 = arith.index_cast %swap3A : i32 to index
    %swap3A_83 = arith.constant 0 : index
    %swap3A_84 = tpu.vector_load %arg14[%swap3A_82, %swap3A_83] {strides = array<i32>} : memref<128x128xf32, #tpu.memory_space<vmem>>, vector<1x16xf32>,
    %swap3A_85 = vector.shape_cast %swap3A_84 : vector<1x16xf32> to vector<16xf32>
    %swap3A_86 = vector.shape_cast %scan3A_80#0 : vector<16xf32> to vector<1x16xf32>
    tpu.vector_store %arg14[%swap3A_82, %swap3A_83], %swap3A_86 {strides = array<i32>} : memref<128x128xf32, #tpu.memory_space<vmem>>, vector<1x16xf32>,
    %swap3A_87 = arith.constant 126 : i32
    %swap3A_88 = arith.index_cast %swap3A_87 : i32 to index
    %swap3A_89 = arith.constant 16 : index
    %swap3A_90 = tpu.vector_load %arg14[%swap3A_88, %swap3A_89] {strides = array<i32>} : memref<128x128xf32, #tpu.memory_space<vmem>>, vector<1x16xf32>,
    %swap3A_91 = vector.shape_cast %swap3A_90 : vector<1x16xf32> to vector<16xf32>
    %swap3A_92 = vector.shape_cast %scan3A_80#1 : vector<16xf32> to vector<1x16xf32>
    tpu.vector_store %arg14[%swap3A_88, %swap3A_89], %swap3A_92 {strides = array<i32>} : memref<128x128xf32, #tpu.memory_space<vmem>>, vector<1x16xf32>,
    %swap3A_93 = arith.constant 126 : i32
    %swap3A_94 = arith.index_cast %swap3A_93 : i32 to index
    %swap3A_95 = arith.constant 32 : index
    %swap3A_96 = tpu.vector_load %arg14[%swap3A_94, %swap3A_95] {strides = array<i32>} : memref<128x128xf32, #tpu.memory_space<vmem>>, vector<1x16xf32>,
    %swap3A_97 = vector.shape_cast %swap3A_96 : vector<1x16xf32> to vector<16xf32>
    %swap3A_98 = vector.shape_cast %scan3A_80#2 : vector<16xf32> to vector<1x16xf32>
    tpu.vector_store %arg14[%swap3A_94, %swap3A_95], %swap3A_98 {strides = array<i32>} : memref<128x128xf32, #tpu.memory_space<vmem>>, vector<1x16xf32>,
    %swap3A_99 = arith.constant 126 : i32
    %swap3A_100 = arith.index_cast %swap3A_99 : i32 to index
    %swap3A_101 = arith.constant 48 : index
    %swap3A_102 = tpu.vector_load %arg14[%swap3A_100, %swap3A_101] {strides = array<i32>} : memref<128x128xf32, #tpu.memory_space<vmem>>, vector<1x16xf32>,
    %swap3A_103 = vector.shape_cast %swap3A_102 : vector<1x16xf32> to vector<16xf32>
    %swap3A_104 = vector.shape_cast %scan3A_80#3 : vector<16xf32> to vector<1x16xf32>
    tpu.vector_store %arg14[%swap3A_100, %swap3A_101], %swap3A_104 {strides = array<i32>} : memref<128x128xf32, #tpu.memory_space<vmem>>, vector<1x16xf32>,
    %swap3A_105 = arith.constant 126 : i32
    %swap3A_106 = arith.index_cast %swap3A_105 : i32 to index
    %swap3A_107 = arith.constant 64 : index
    %swap3A_108 = tpu.vector_load %arg14[%swap3A_106, %swap3A_107] {strides = array<i32>} : memref<128x128xf32, #tpu.memory_space<vmem>>, vector<1x16xf32>,
    %swap3A_109 = vector.shape_cast %swap3A_108 : vector<1x16xf32> to vector<16xf32>
    %swap3A_110 = vector.shape_cast %scan3A_80#4 : vector<16xf32> to vector<1x16xf32>
    tpu.vector_store %arg14[%swap3A_106, %swap3A_107], %swap3A_110 {strides = array<i32>} : memref<128x128xf32, #tpu.memory_space<vmem>>, vector<1x16xf32>,
    %swap3A_111 = arith.constant 126 : i32
    %swap3A_112 = arith.index_cast %swap3A_111 : i32 to index
    %swap3A_113 = arith.constant 80 : index
    %swap3A_114 = tpu.vector_load %arg14[%swap3A_112, %swap3A_113] {strides = array<i32>} : memref<128x128xf32, #tpu.memory_space<vmem>>, vector<1x16xf32>,
    %swap3A_115 = vector.shape_cast %swap3A_114 : vector<1x16xf32> to vector<16xf32>
    %swap3A_116 = vector.shape_cast %scan3A_80#5 : vector<16xf32> to vector<1x16xf32>
    tpu.vector_store %arg14[%swap3A_112, %swap3A_113], %swap3A_116 {strides = array<i32>} : memref<128x128xf32, #tpu.memory_space<vmem>>, vector<1x16xf32>,
    %swap3A_117 = arith.constant 126 : i32
    %swap3A_118 = arith.index_cast %swap3A_117 : i32 to index
    %swap3A_119 = arith.constant 96 : index
    %swap3A_120 = tpu.vector_load %arg14[%swap3A_118, %swap3A_119] {strides = array<i32>} : memref<128x128xf32, #tpu.memory_space<vmem>>, vector<1x16xf32>,
    %swap3A_121 = vector.shape_cast %swap3A_120 : vector<1x16xf32> to vector<16xf32>
    %swap3A_122 = vector.shape_cast %scan3A_80#6 : vector<16xf32> to vector<1x16xf32>
    tpu.vector_store %arg14[%swap3A_118, %swap3A_119], %swap3A_122 {strides = array<i32>} : memref<128x128xf32, #tpu.memory_space<vmem>>, vector<1x16xf32>,
    %swap3A_123 = arith.constant 126 : i32
    %swap3A_124 = arith.index_cast %swap3A_123 : i32 to index
    %swap3A_125 = arith.constant 112 : index
    %swap3A_126 = tpu.vector_load %arg14[%swap3A_124, %swap3A_125] {strides = array<i32>} : memref<128x128xf32, #tpu.memory_space<vmem>>, vector<1x16xf32>,
    %swap3A_127 = vector.shape_cast %swap3A_126 : vector<1x16xf32> to vector<16xf32>
    %swap3A_128 = vector.shape_cast %scan3A_80#7 : vector<16xf32> to vector<1x16xf32>
    tpu.vector_store %arg14[%swap3A_124, %swap3A_125], %swap3A_128 {strides = array<i32>} : memref<128x128xf32, #tpu.memory_space<vmem>>, vector<1x16xf32>,
    %dma_wait3A_129 = arith.constant 0 : i32
    %dma_wait3A_130 = tpu.memref_slice %arg7[%dma_wait3A_129] : memref<13312xi32, #tpu.memory_space<vmem>> -> memref<100xi32, #tpu.memory_space<vmem>>
    %dma_wait3A_131 = arith.constant 0 : i32
    %dma_wait3A_132 = arith.constant 0 : i32
    %dma_wait3A_133 = tpu.memref_slice %arg3[%dma_wait3A_131, %dma_wait3A_132] : memref<100000x128xf32, #tpu.memory_space<hbm>> -> memref<100000x128xf32, #tpu.memory_space<hbm>>
    tpu.wait_indirect_dma semaphore(%arg17 : memref<!tpu.dma_semaphore, #tpu.memory_space<semaphore_mem>>) src(%dma_wait3A_133 : memref<100000x128xf32, #tpu.memory_space<hbm>>) dst(%arg9 : memref<100x128xf32, #tpu.memory_space<vmem>>)
    %scan3A_134 = arith.constant 0 : i32
    %scan3A_135 = arith.constant 100 : i32
    %scan3A_136 = arith.addi %scan3A_134, %scan3A_135 : i32
    %scan3A_137 = arith.constant 2 : i32
    %scan3A_138:8 = scf.for %scan3A_188 = %scan3A_134 to %scan3A_136 step %scan3A_137 iter_args(%scan3A_189 = %get3A_9, %scan3A_190 = %get3A_12, %scan3A_191 = %get3A_15, %scan3A_192 = %get3A_18, %scan3A_193 = %get3A_21, %scan3A_194 = %get3A_24, %scan3A_195 = %get3A_27, %scan3A_196 = %get3A_30) -> (vector<16xf32>, vector<16xf32>, vector<16xf32>, vector<16xf32>, vector<16xf32>, vector<16xf32>, vector<16xf32>, vector<16xf32>)  : i32 {
      %get3A_197 = arith.index_cast %scan3A_188 : i32 to index
      %get3A_198 = arith.constant 0 : index
      %get3A_199 = tpu.vector_load %arg9[%get3A_197, %get3A_198] {strides = array<i32>} : memref<100x128xf32, #tpu.memory_space<vmem>>, vector<1x16xf32>,
      %get3A_200 = vector.shape_cast %get3A_199 : vector<1x16xf32> to vector<16xf32>
      %add3A_201 = arith.addf %scan3A_189, %get3A_200 : vector<16xf32>
      %get3A_202 = arith.index_cast %scan3A_188 : i32 to index
      %get3A_203 = arith.constant 16 : index
      %get3A_204 = tpu.vector_load %arg9[%get3A_202, %get3A_203] {strides = array<i32>} : memref<100x128xf32, #tpu.memory_space<vmem>>, vector<1x16xf32>,
      %get3A_205 = vector.shape_cast %get3A_204 : vector<1x16xf32> to vector<16xf32>
      %add3A_206 = arith.addf %scan3A_190, %get3A_205 : vector<16xf32>
      %get3A_207 = arith.index_cast %scan3A_188 : i32 to index
      %get3A_208 = arith.constant 32 : index
      %get3A_209 = tpu.vector_load %arg9[%get3A_207, %get3A_208] {strides = array<i32>} : memref<100x128xf32, #tpu.memory_space<vmem>>, vector<1x16xf32>,
      %get3A_210 = vector.shape_cast %get3A_209 : vector<1x16xf32> to vector<16xf32>
      %add3A_211 = arith.addf %scan3A_191, %get3A_210 : vector<16xf32>
      %get3A_212 = arith.index_cast %scan3A_188 : i32 to index
      %get3A_213 = arith.constant 48 : index
      %get3A_214 = tpu.vector_load %arg9[%get3A_212, %get3A_213] {strides = array<i32>} : memref<100x128xf32, #tpu.memory_space<vmem>>, vector<1x16xf32>,
      %get3A_215 = vector.shape_cast %get3A_214 : vector<1x16xf32> to vector<16xf32>
      %add3A_216 = arith.addf %scan3A_192, %get3A_215 : vector<16xf32>
      %get3A_217 = arith.index_cast %scan3A_188 : i32 to index
      %get3A_218 = arith.constant 64 : index
      %get3A_219 = tpu.vector_load %arg9[%get3A_217, %get3A_218] {strides = array<i32>} : memref<100x128xf32, #tpu.memory_space<vmem>>, vector<1x16xf32>,
      %get3A_220 = vector.shape_cast %get3A_219 : vector<1x16xf32> to vector<16xf32>
      %add3A_221 = arith.addf %scan3A_193, %get3A_220 : vector<16xf32>
      %get3A_222 = arith.index_cast %scan3A_188 : i32 to index
      %get3A_223 = arith.constant 80 : index
      %get3A_224 = tpu.vector_load %arg9[%get3A_222, %get3A_223] {strides = array<i32>} : memref<100x128xf32, #tpu.memory_space<vmem>>, vector<1x16xf32>,
      %get3A_225 = vector.shape_cast %get3A_224 : vector<1x16xf32> to vector<16xf32>
      %add3A_226 = arith.addf %scan3A_194, %get3A_225 : vector<16xf32>
      %get3A_227 = arith.index_cast %scan3A_188 : i32 to index
      %get3A_228 = arith.constant 96 : index
      %get3A_229 = tpu.vector_load %arg9[%get3A_227, %get3A_228] {strides = array<i32>} : memref<100x128xf32, #tpu.memory_space<vmem>>, vector<1x16xf32>,
      %get3A_230 = vector.shape_cast %get3A_229 : vector<1x16xf32> to vector<16xf32>
      %add3A_231 = arith.addf %scan3A_195, %get3A_230 : vector<16xf32>
      %get3A_232 = arith.index_cast %scan3A_188 : i32 to index
      %get3A_233 = arith.constant 112 : index
      %get3A_234 = tpu.vector_load %arg9[%get3A_232, %get3A_233] {strides = array<i32>} : memref<100x128xf32, #tpu.memory_space<vmem>>, vector<1x16xf32>,
      %get3A_235 = vector.shape_cast %get3A_234 : vector<1x16xf32> to vector<16xf32>
      %add3A_236 = arith.addf %scan3A_196, %get3A_235 : vector<16xf32>
      %scan3A_237 = arith.constant 1 : i32
      %scan3A_238 = arith.addi %scan3A_188, %scan3A_237 : i32
      %get3A_239 = arith.index_cast %scan3A_238 : i32 to index
      %get3A_240 = arith.constant 0 : index
      %get3A_241 = tpu.vector_load %arg9[%get3A_239, %get3A_240] {strides = array<i32>} : memref<100x128xf32, #tpu.memory_space<vmem>>, vector<1x16xf32>,
      %get3A_242 = vector.shape_cast %get3A_241 : vector<1x16xf32> to vector<16xf32>
      %add3A_243 = arith.addf %add3A_201, %get3A_242 : vector<16xf32>
      %get3A_244 = arith.index_cast %scan3A_238 : i32 to index
      %get3A_245 = arith.constant 16 : index
      %get3A_246 = tpu.vector_load %arg9[%get3A_244, %get3A_245] {strides = array<i32>} : memref<100x128xf32, #tpu.memory_space<vmem>>, vector<1x16xf32>,
      %get3A_247 = vector.shape_cast %get3A_246 : vector<1x16xf32> to vector<16xf32>
      %add3A_248 = arith.addf %add3A_206, %get3A_247 : vector<16xf32>
      %get3A_249 = arith.index_cast %scan3A_238 : i32 to index
      %get3A_250 = arith.constant 32 : index
      %get3A_251 = tpu.vector_load %arg9[%get3A_249, %get3A_250] {strides = array<i32>} : memref<100x128xf32, #tpu.memory_space<vmem>>, vector<1x16xf32>,
      %get3A_252 = vector.shape_cast %get3A_251 : vector<1x16xf32> to vector<16xf32>
      %add3A_253 = arith.addf %add3A_211, %get3A_252 : vector<16xf32>
      %get3A_254 = arith.index_cast %scan3A_238 : i32 to index
      %get3A_255 = arith.constant 48 : index
      %get3A_256 = tpu.vector_load %arg9[%get3A_254, %get3A_255] {strides = array<i32>} : memref<100x128xf32, #tpu.memory_space<vmem>>, vector<1x16xf32>,
      %get3A_257 = vector.shape_cast %get3A_256 : vector<1x16xf32> to vector<16xf32>
      %add3A_258 = arith.addf %add3A_216, %get3A_257 : vector<16xf32>
      %get3A_259 = arith.index_cast %scan3A_238 : i32 to index
      %get3A_260 = arith.constant 64 : index
      %get3A_261 = tpu.vector_load %arg9[%get3A_259, %get3A_260] {strides = array<i32>} : memref<100x128xf32, #tpu.memory_space<vmem>>, vector<1x16xf32>,
      %get3A_262 = vector.shape_cast %get3A_261 : vector<1x16xf32> to vector<16xf32>
      %add3A_263 = arith.addf %add3A_221, %get3A_262 : vector<16xf32>
      %get3A_264 = arith.index_cast %scan3A_238 : i32 to index
      %get3A_265 = arith.constant 80 : index
      %get3A_266 = tpu.vector_load %arg9[%get3A_264, %get3A_265] {strides = array<i32>} : memref<100x128xf32, #tpu.memory_space<vmem>>, vector<1x16xf32>,
      %get3A_267 = vector.shape_cast %get3A_266 : vector<1x16xf32> to vector<16xf32>
      %add3A_268 = arith.addf %add3A_226, %get3A_267 : vector<16xf32>
      %get3A_269 = arith.index_cast %scan3A_238 : i32 to index
      %get3A_270 = arith.constant 96 : index
      %get3A_271 = tpu.vector_load %arg9[%get3A_269, %get3A_270] {strides = array<i32>} : memref<100x128xf32, #tpu.memory_space<vmem>>, vector<1x16xf32>,
      %get3A_272 = vector.shape_cast %get3A_271 : vector<1x16xf32> to vector<16xf32>
      %add3A_273 = arith.addf %add3A_231, %get3A_272 : vector<16xf32>
      %get3A_274 = arith.index_cast %scan3A_238 : i32 to index
      %get3A_275 = arith.constant 112 : index
      %get3A_276 = tpu.vector_load %arg9[%get3A_274, %get3A_275] {strides = array<i32>} : memref<100x128xf32, #tpu.memory_space<vmem>>, vector<1x16xf32>,
      %get3A_277 = vector.shape_cast %get3A_276 : vector<1x16xf32> to vector<16xf32>
      %add3A_278 = arith.addf %add3A_236, %get3A_277 : vector<16xf32>
      scf.yield %add3A_243, %add3A_248, %add3A_253, %add3A_258, %add3A_263, %add3A_268, %add3A_273, %add3A_278 : vector<16xf32>, vector<16xf32>, vector<16xf32>, vector<16xf32>, vector<16xf32>, vector<16xf32>, vector<16xf32>, vector<16xf32>
    }
    %scan3A_139 = arith.constant 100 : i32
    %swap3A_140 = arith.constant 127 : i32
    %swap3A_141 = arith.index_cast %swap3A_140 : i32 to index
    %swap3A_142 = arith.constant 0 : index
    %swap3A_143 = tpu.vector_load %arg14[%swap3A_141, %swap3A_142] {strides = array<i32>} : memref<128x128xf32, #tpu.memory_space<vmem>>, vector<1x16xf32>,
    %swap3A_144 = vector.shape_cast %swap3A_143 : vector<1x16xf32> to vector<16xf32>
    %swap3A_145 = vector.shape_cast %scan3A_138#0 : vector<16xf32> to vector<1x16xf32>
    tpu.vector_store %arg14[%swap3A_141, %swap3A_142], %swap3A_145 {strides = array<i32>} : memref<128x128xf32, #tpu.memory_space<vmem>>, vector<1x16xf32>,
    %swap3A_146 = arith.constant 127 : i32
    %swap3A_147 = arith.index_cast %swap3A_146 : i32 to index
    %swap3A_148 = arith.constant 16 : index
    %swap3A_149 = tpu.vector_load %arg14[%swap3A_147, %swap3A_148] {strides = array<i32>} : memref<128x128xf32, #tpu.memory_space<vmem>>, vector<1x16xf32>,
    %swap3A_150 = vector.shape_cast %swap3A_149 : vector<1x16xf32> to vector<16xf32>
    %swap3A_151 = vector.shape_cast %scan3A_138#1 : vector<16xf32> to vector<1x16xf32>
    tpu.vector_store %arg14[%swap3A_147, %swap3A_148], %swap3A_151 {strides = array<i32>} : memref<128x128xf32, #tpu.memory_space<vmem>>, vector<1x16xf32>,
    %swap3A_152 = arith.constant 127 : i32
    %swap3A_153 = arith.index_cast %swap3A_152 : i32 to index
    %swap3A_154 = arith.constant 32 : index
    %swap3A_155 = tpu.vector_load %arg14[%swap3A_153, %swap3A_154] {strides = array<i32>} : memref<128x128xf32, #tpu.memory_space<vmem>>, vector<1x16xf32>,
    %swap3A_156 = vector.shape_cast %swap3A_155 : vector<1x16xf32> to vector<16xf32>
    %swap3A_157 = vector.shape_cast %scan3A_138#2 : vector<16xf32> to vector<1x16xf32>
    tpu.vector_store %arg14[%swap3A_153, %swap3A_154], %swap3A_157 {strides = array<i32>} : memref<128x128xf32, #tpu.memory_space<vmem>>, vector<1x16xf32>,
    %swap3A_158 = arith.constant 127 : i32
    %swap3A_159 = arith.index_cast %swap3A_158 : i32 to index
    %swap3A_160 = arith.constant 48 : index
    %swap3A_161 = tpu.vector_load %arg14[%swap3A_159, %swap3A_160] {strides = array<i32>} : memref<128x128xf32, #tpu.memory_space<vmem>>, vector<1x16xf32>,
    %swap3A_162 = vector.shape_cast %swap3A_161 : vector<1x16xf32> to vector<16xf32>
    %swap3A_163 = vector.shape_cast %scan3A_138#3 : vector<16xf32> to vector<1x16xf32>
    tpu.vector_store %arg14[%swap3A_159, %swap3A_160], %swap3A_163 {strides = array<i32>} : memref<128x128xf32, #tpu.memory_space<vmem>>, vector<1x16xf32>,
    %swap3A_164 = arith.constant 127 : i32
    %swap3A_165 = arith.index_cast %swap3A_164 : i32 to index
    %swap3A_166 = arith.constant 64 : index
    %swap3A_167 = tpu.vector_load %arg14[%swap3A_165, %swap3A_166] {strides = array<i32>} : memref<128x128xf32, #tpu.memory_space<vmem>>, vector<1x16xf32>,
    %swap3A_168 = vector.shape_cast %swap3A_167 : vector<1x16xf32> to vector<16xf32>
    %swap3A_169 = vector.shape_cast %scan3A_138#4 : vector<16xf32> to vector<1x16xf32>
    tpu.vector_store %arg14[%swap3A_165, %swap3A_166], %swap3A_169 {strides = array<i32>} : memref<128x128xf32, #tpu.memory_space<vmem>>, vector<1x16xf32>,
    %swap3A_170 = arith.constant 127 : i32
    %swap3A_171 = arith.index_cast %swap3A_170 : i32 to index
    %swap3A_172 = arith.constant 80 : index
    %swap3A_173 = tpu.vector_load %arg14[%swap3A_171, %swap3A_172] {strides = array<i32>} : memref<128x128xf32, #tpu.memory_space<vmem>>, vector<1x16xf32>,
    %swap3A_174 = vector.shape_cast %swap3A_173 : vector<1x16xf32> to vector<16xf32>
    %swap3A_175 = vector.shape_cast %scan3A_138#5 : vector<16xf32> to vector<1x16xf32>
    tpu.vector_store %arg14[%swap3A_171, %swap3A_172], %swap3A_175 {strides = array<i32>} : memref<128x128xf32, #tpu.memory_space<vmem>>, vector<1x16xf32>,
    %swap3A_176 = arith.constant 127 : i32
    %swap3A_177 = arith.index_cast %swap3A_176 : i32 to index
    %swap3A_178 = arith.constant 96 : index
    %swap3A_179 = tpu.vector_load %arg14[%swap3A_177, %swap3A_178] {strides = array<i32>} : memref<128x128xf32, #tpu.memory_space<vmem>>, vector<1x16xf32>,
    %swap3A_180 = vector.shape_cast %swap3A_179 : vector<1x16xf32> to vector<16xf32>
    %swap3A_181 = vector.shape_cast %scan3A_138#6 : vector<16xf32> to vector<1x16xf32>
    tpu.vector_store %arg14[%swap3A_177, %swap3A_178], %swap3A_181 {strides = array<i32>} : memref<128x128xf32, #tpu.memory_space<vmem>>, vector<1x16xf32>,
    %swap3A_182 = arith.constant 127 : i32
    %swap3A_183 = arith.index_cast %swap3A_182 : i32 to index
    %swap3A_184 = arith.constant 112 : index
    %swap3A_185 = tpu.vector_load %arg14[%swap3A_183, %swap3A_184] {strides = array<i32>} : memref<128x128xf32, #tpu.memory_space<vmem>>, vector<1x16xf32>,
    %swap3A_186 = vector.shape_cast %swap3A_185 : vector<1x16xf32> to vector<16xf32>
    %swap3A_187 = vector.shape_cast %scan3A_138#7 : vector<16xf32> to vector<1x16xf32>
    tpu.vector_store %arg14[%swap3A_183, %swap3A_184], %swap3A_187 {strides = array<i32>} : memref<128x128xf32, #tpu.memory_space<vmem>>, vector<1x16xf32>,
    "tpu.region"() ({
      %run_scoped3A = tpu.sem_alloc : memref<!tpu.dma_semaphore, #tpu.memory_space<semaphore_mem>>
      %dma_start3A_188 = arith.constant 0 : i32
      %dma_start3A_189 = tpu.memref_slice %arg5[%mul3A_2, %dma_start3A_188] : memref<4096x128xf32, #tpu.memory_space<hbm>> -> memref<128x128xf32, #tpu.memory_space<hbm>>
      %dma_start3A_190 = arith.constant 0 : i32
      %dma_start3A_191 = tpu.memref_slice %arg5[%mul3A_2, %dma_start3A_190] : memref<4096x128xf32, #tpu.memory_space<hbm>> -> memref<128x128xf32, #tpu.memory_space<hbm>>
      tpu.enqueue_dma source(%arg14 : memref<128x128xf32, #tpu.memory_space<vmem>>) target(%dma_start3A_191 : memref<128x128xf32, #tpu.memory_space<hbm>>) target_semaphore(%run_scoped3A : memref<!tpu.dma_semaphore, #tpu.memory_space<semaphore_mem>>)
      %dma_wait3A_192 = arith.constant 0 : i32
      %dma_wait3A_193 = tpu.memref_slice %arg5[%mul3A_2, %dma_wait3A_192] : memref<4096x128xf32, #tpu.memory_space<hbm>> -> memref<128x128xf32, #tpu.memory_space<hbm>>
      %dma_wait3A_194 = arith.constant 0 : i32
      %dma_wait3A_195 = tpu.memref_slice %arg5[%mul3A_2, %dma_wait3A_194] : memref<4096x128xf32, #tpu.memory_space<hbm>> -> memref<128x128xf32, #tpu.memory_space<hbm>>
      tpu.wait_dma2 semaphore(%run_scoped3A : memref<!tpu.dma_semaphore, #tpu.memory_space<semaphore_mem>>) src(%arg14 : memref<128x128xf32, #tpu.memory_space<vmem>>) dst(%dma_wait3A_195 : memref<128x128xf32, #tpu.memory_space<hbm>>)
      tpu.yield
    }) : () -> ()
    return
  }
}

</mosaic_0001>

<sc_bundles>
// kernel: kernel.3.cloned.1.call-start
scs
__scs_entry_jumppad:
0x0: {  	(pc) =	sbr.rel $0x88, $3  }
0x1: {  	(tag) =	ssettag $0x0;
	lr =	simm.s32 $0x1  }
0x2: {  	[smem:$0x3F9E] =	sst lr;
	_ =	strace $0xD0000000  }
0x3: {  	_ = 	snop  }
0x4: {  	_ = 	snop  }
0x5: {  	_ = 	snop  }
0x6: {  	_ = 	snop  }
0x7: {  	_ = 	snop  }
__scs_overlays_trampoline_lowered:
0x8: {  	[smem:$0x3FAD] =	sst s0  }
0x9: {  	[smem:$0x3FAE] =	sst s1  }
0xa: {  	[smem:$0x3FAF] =	sst s2  }
0xb: {  	[smem:$0x3FB0] =	sst s3  }
0xc: {  	[smem:$0x3FB1] =	sst s4  }
0xd: {  	[smem:$0x3FB2] =	sst s5  }
0xe: {  	[smem:$0x3FB3] =	sst s6  }
0xf: {  	[smem:$0x3FB4] =	sst s7  }
0x10: {  	[smem:$0x3FB5] =	sst s8  }
0x11: {  	[smem:$0x3FB6] =	sst s9;
	s0 =	simm.s32 @!p0 $0x0  }
0x12: {  	s1 =	sld [smem:$0x3F9C];
	s0 =	simm.s32 @p0 $0x1  }
0x13: {  	[smem:$0x3FB7] =	sst s0;
	s0 =	simm.s32 @!p1 $0x0  }
0x14: {  	s2 =	sld [smem:$0x3F9B];
	s0 =	simm.s32 @p1 $0x1  }
0x15: {  	[smem:$0x3FB8] =	sst s0;
	s0 =	simm.s32 @!p2 $0x0  }
0x16: {  	s3 =	sld [smem:$0x3FDB];
	s0 =	simm.s32 @p2 $0x1  }
0x17: {  	s4 =	simm.s32 $0x1BF5;
	[smem:$0x3FBA] =	sst s0  }
0x18: {  	s0 =	sld [smem:$0x3F9D];
	_ =	swait.ge [sflag:s4], $0x0  }
0x19: {  	s7 =	sld [smem:$0x3F9E]  }
0x1a: {  	s8 =	sadd.s32 $0xFFFFE003, lr  }
0x1b: {  	s9 =	sadd.s32 $0xFFFFFEF7, lr;
	s5 =	simm.s32 $0xFFFFFFFF;
	p2 =	slt.u32 s8, $0xFFFFF086  }
0x1c: {  	p1 =	slt.u32 s9, $0xF7A;
	s5 =	simm.s32 @!p2 $0x0  }
0x1d: {  	s5 =	simm.s32 @p1 $0x1;
	p0 =	seq.s32 s7, s2  }
0x1e: {  	s7 =	smul.u32 @!p0 $0xF7A, s2;
	p2 =	seq.s32 @!p0 s5, $0x0  }
0x1f: {  	s9 =	smul.u32 $0xF7A, s1;
	s8 =	simm.s32 @!p0 $0x1BF5;
	p2 =	por !p2, p0  }
0x20: {  	[sflag:s8] =	ssyncset.s32 @!p0 $0xFFFFF086;
	s6 =	sadd.s32 @!p0 s3, s7;
	s7 =	simm.s32 @!p0 $0x108  }
0x21: {  	s3 =	sadd.s32 s3, s9;
	s6 =	sadd.s32 @!p0 $0x88, s6;
	s7 =	simm.s32 @p2 $0x1082  }
0x22: {  	[simem:s7], [sflag:s8] =	dma.local @!p0 [hbm:s6], $0xF7A  }
0x23: {  	s9 =	sor.u32 $0xD0000000, s2;
	s6 =	simm.s32 $0x108;
	_ =	swait.ge @!p0 [sflag:s8], $0x0  }
0x24: {  	s3 =	sadd.s32 $0x88, s3;
	s6 =	simm.s32 @!p1 $0x1082;
	[sflag:s4] =	ssyncset.s32 $0xFFFFF086  }
0x25: {  	[simem:s6], [sflag:s4] =	dma.local [hbm:s3], $0xF7A  }
0x26: {  	[smem:$0x3F9E] =	sst s1;
	(tag) =	ssettag s2;
	_ =	strace s9  }
0x27: {  	s1 =	sld [smem:$0x3FAE]  }
0x28: {  	s2 =	sld [smem:$0x3FAF]  }
0x29: {  	s4 =	sld [smem:$0x3FB1]  }
0x2a: {  	p0 =	seq.s32 s5, $0x0;
	s5 =	sld [smem:$0x3FB2]  }
0x2b: {  	s6 =	sld [smem:$0x3FB3]  }
0x2c: {  	s7 =	sld [smem:$0x3FB4]  }
0x2d: {  	s3 =	simm.s32 $0x108;
	s8 =	sld [smem:$0x3FB5]  }
0x2e: {  	s3 =	simm.s32 @!p0 $0x1082;
	s9 =	sld [smem:$0x3FB6]  }
0x2f: {  	lr =	sadd.s32 s0, s3;
	s0 =	sld [smem:$0x3FAD]  }
0x30: {  	s3 =	sld [smem:$0x3FB0]  }
0x31: {  	[smem:$0x3FB9] =	sst s10  }
0x32: {  	s10 =	sld [smem:$0x3FB7];
	_ =	sdelay $0x3  }
0x33: {  	p0 =	seq.s32 s10, $0x1;
	s10 =	sld [smem:$0x3FB9];
	_ =	sdelay $0x3  }
0x34: {  	[smem:$0x3FB9] =	sst s10  }
0x35: {  	s10 =	sld [smem:$0x3FB8];
	_ =	sdelay $0x3  }
0x36: {  	p1 =	seq.s32 s10, $0x1;
	s10 =	sld [smem:$0x3FB9];
	_ =	sdelay $0x3  }
0x37: {  	[smem:$0x3FB9] =	sst s10  }
0x38: {  	s10 =	sld [smem:$0x3FBA]  }
0x39: {  	_ = 	snop;
	(pc) =	sbr.ind lr, $3  }
0x3a: {  	_ = 	snop  }
0x3b: {  	_ = 	snop  }
0x3c: {  	p2 =	seq.s32 s10, $0x1;
	s10 =	sld [smem:$0x3FB9]  }
0x3d: {  	_ =	shalt  }
0x3e: {  	_ =	shalt  }
0x3f: {  	_ =	shalt  }
0x40: {  	_ =	shalt  }
0x41: {  	_ =	shalt  }
0x42: {  	_ =	shalt  }
0x43: {  	_ =	shalt  }
0x44: {  	_ =	shalt  }
0x45: {  	_ =	shalt  }
0x46: {  	_ =	shalt  }
0x47: {  	_ =	shalt  }
0x48: {  	_ =	shalt  }
0x49: {  	_ =	shalt  }
0x4a: {  	_ =	shalt  }
0x4b: {  	_ =	shalt  }
0x4c: {  	_ =	shalt  }
0x4d: {  	_ =	shalt  }
0x4e: {  	_ =	shalt  }
0x4f: {  	_ =	shalt  }
0x50: {  	_ =	shalt  }
0x51: {  	_ =	shalt  }
0x52: {  	_ =	shalt  }
0x53: {  	_ =	shalt  }
0x54: {  	_ =	shalt  }
0x55: {  	_ =	shalt  }
0x56: {  	_ =	shalt  }
0x57: {  	_ =	shalt  }
0x58: {  	_ =	shalt  }
0x59: {  	_ =	shalt  }
0x5a: {  	_ =	shalt  }
0x5b: {  	_ =	shalt  }
0x5c: {  	_ =	shalt  }
0x5d: {  	_ =	shalt  }
0x5e: {  	_ =	shalt  }
0x5f: {  	_ =	shalt  }
0x60: {  	_ =	shalt  }
0x61: {  	_ =	shalt  }
0x62: {  	_ =	shalt  }
0x63: {  	_ =	shalt  }
0x64: {  	_ =	shalt  }
0x65: {  	_ =	shalt  }
0x66: {  	_ =	shalt  }
0x67: {  	_ =	shalt  }
0x68: {  	_ =	shalt  }
0x69: {  	_ =	shalt  }
0x6a: {  	_ =	shalt  }
0x6b: {  	_ =	shalt  }
0x6c: {  	_ =	shalt  }
0x6d: {  	_ =	shalt  }
0x6e: {  	_ =	shalt  }
0x6f: {  	_ =	shalt  }
0x70: {  	_ =	shalt  }
0x71: {  	_ =	shalt  }
0x72: {  	_ =	shalt  }
0x73: {  	_ =	shalt  }
0x74: {  	_ =	shalt  }
0x75: {  	_ =	shalt  }
0x76: {  	_ =	shalt  }
0x77: {  	_ =	shalt  }
0x78: {  	_ =	shalt  }
0x79: {  	_ =	shalt  }
0x7a: {  	_ =	shalt  }
0x7b: {  	_ =	shalt  }
0x7c: {  	_ =	shalt  }
0x7d: {  	_ =	shalt  }
0x7e: {  	_ =	shalt  }
0x7f: {  	_ =	shalt  }
0x80: {  	_ =	shalt  }
0x81: {  	_ =	shalt  }
0x82: {  	_ =	shalt  }
0x83: {  	_ =	shalt  }
0x84: {  	_ =	shalt  }
0x85: {  	_ =	shalt  }
0x86: {  	_ =	shalt  }
0x87: {  	_ =	shalt  }
.Lfunc_end0:
.L_simem_size_0:
called_computation_lowered:
.L_overlay_start_0:
0x88: {  	s2 =	sld [smem:$0x3FD9]  }
0x89: {  	s3 =	sld [smem:$0x3FFE];
	_ =	sdelay $0x1  }
0x8a: {  	s1 =	srdreg.scid  }
0x8b: {  	s0 =	sand.u32 $0x1, s1  }
0x8c: {  	s17 =	sshll.u32 s0, $0xA;
	s2 =	sadd.s32 s3, s2  }
0x8d: {  	s2 =	sadd.s32 s2, s17  }
0x8e: {  	[smem:$0x3FC5] =	sst s2  }
0x8f: {  	_ = 	snop  }
0x90: {  	s2 =	sld [smem:$0x3FC8]  }
0x91: {  	s18 =	sld [smem:$0x3FC7]  }
0x92: {  	s4 =	sld [smem:$0x3FD0];
	(tm) =	ssettm $0x1  }
0x93: {  	s5 =	sld [smem:$0x3FFB];
	_ =	sdelay $0x3  }
0x94: {  	_ =	strace s5  }
0x95: {  	s5 =	sld [smem:$0x3FFC];
	_ =	sdelay $0x3  }
0x96: {  	_ =	strace s5  }
0x97: {  	s5 =	sld [smem:$0x3FFD];
	_ =	sdelay $0x3  }
0x98: {  	_ =	strace s5  }
0x99: {  	_ =	strace $0x8FFFFFFF  }
0x9a: {  	s19 =	sld [smem:$0x3FDB];
	_ =	sdelay $0x1  }
0x9b: {  	s6 =	simm.s32 $_scs_section_size  }
0x9c: {  	s7 =	simm.s32 $_size__tile_overlayer_lowered;
	s8 =	simm.s32 $_tile_overlayer_lowered  }
0x9d: {  	s22 =	simm.s32 $0x1BFF;
	s21 =	sshll.u32 s8, $0x1;
	s5 =	sadd.s32 s6, s19  }
0x9e: {  	s9 =	simm.s32 $0x0;
	s20 =	sshll.u32 s7, $0x1;
	s7 =	sadd.s32 s21, s5  }
0x9f: {  	[timem:s9], [sflag:s22] =	dma.local [hbm:s7], s20  }
0xa0: {  	_ =	swait.ge [sflag:s22], s20  }
0xa1: {  	s6 =	ssub.s32 $0x0, s20;
	[sflag:s22] =	ssyncset.done $0x0  }
0xa2: {  	[sflag:s22] =	ssyncadd.s32 s6;
	_ =	sdelay $0x1  }
0xa3: {  	s23 =	simm.s32 $0x1B8B  }
0xa4: {  	_ =	swait.ge [sflag:s23], $0x1  }
0xa5: {  	[sflag:s23] =	ssyncset.done $0x0  }
0xa6: {  	s25 =	simm.s32 $0x1B8E;
	s24 =	sld [smem:$0x3FFE];
	[sflag:s23] =	ssyncadd.s32 $0xFFFFFFFF  }
0xa7: {  	s26 =	simm.s32 $execute0_lowered;
	[smem:$0x3FD2] =	sst s25  }
0xa8: {  	s7 =	sshll.u32 s26, $0x1;
	_ =	strace $0x80000046;
	[dreg:$0x1] =	wrdreg $0xFFFFFFFF  }
0xa9: {  	s28 =	simm.s32 $_size_execute0_lowered;
	s5 =	sadd.s32 s5, s7;
	[dreg:$0x0] =	wrdreg $0x0  }
0xaa: {  	s7 =	sshll.u32 s28, $0x1;
	[dreg:$0x2] =	wrdreg s5  }
0xab: {  	[dreg:$0x3] =	wrdreg s7  }
0xac: {  	[dreg:$0x4] =	wrdreg $0xC0  }
0xad: {  	_ =	task [dreg:s9], $0x5FFFF  }
0xae: {  	[dreg:$0x1] =	wrdreg $0xFFFFFFFF  }
0xaf: {  	[dreg:$0x0] =	wrdreg $0x60  }
0xb0: {  	[dreg:$0x2] =	wrdreg s24  }
0xb1: {  	[dreg:$0x3] =	wrdreg s2  }
0xb2: {  	[dreg:$0x4] =	wrdreg s18  }
0xb3: {  	[dreg:$0x5] =	wrdreg s4  }
0xb4: {  	[dreg:$0x6] =	wrdreg $0x9  }
0xb5: {  	_ =	task.clear_ibuf [dreg:s9], $0x7FFFF;
	_ =	strace $0x90000046  }
0xb6: {  	s29 =	simm.s32 $0x9;
	_ =	strace $0x80000048  }
0xb7: {  	_ =	swait.ge [sflag:s29], $0x1  }
0xb8: {  	[sflag:s29] =	ssyncadd.s32 $0xFFFFFFFF  }
0xb9: {  	_ =	strace $0x90000048  }
0xba: {  	_ =	sfence  }
0xbb: {  	s30 =	sld [smem:$0x0];
	_ =	sdelay $0x2  }
0xbc: {  	s31 =	sshll.u32 s1, $0xD;
	s1 =	sshrl.u32 s1, $0x2  }
0xbd: {  	s3 =	sand.u32 $0x4000, s31;
	s1 =	sadd.s32 s1, s30  }
0xbe: {  	s0 =	sor.u32 s3, s0;
	s1 =	sshll.u32 s1, $0x11  }
0xbf: {  	s0 =	sor.u32 s1, s0  }
0xc0: {  	s0 =	sadd.s32 $0x8F2B, s0  }
0xc1: {  	[sflag:s0] =	ssyncadd.remote.s32 $0x1  }
0xc2: {  	_ =	sfence.sel $0xFFFF  }
0xc3: {  	[dreg:$0x0] =	wrdreg $0xFFFFFFFF;
	(pc) =	sbr.abs _section_cstart, $3  }
0xc4: {  	[dreg:$0x1] =	wrdreg $0xFFFFFFFF  }
0xc5: {  	_ =	task.clear_ibuf [dreg:s9], $0x2FFFF;
	_ =	strace $0x9FFFFFFF  }
0xc6: {  	(tm) =	ssettm $0x7FFFFFFF  }
0xc7: {  	_ =	shalt  }
tec
execute0_lowered:
.L_overlay_start_1:
0x0: {  	(tag) =	ssettag $0x1  }
0x1: {  	s0 =	rddreg [dreg:$0x0]  }
0x2: {  	s1 =	rddreg [dreg:$0x1]  }
0x3: {  	s2 =	rddreg [dreg:$0x3]  }
0x4: {  	s3 =	srdreg.scid;
	s5 =	stileid.u32;
	s4 =	simm.s32 $0x0  }
0x5: {  	s8 =	simm.s32 $0x7;
	s10 =	simm.s32 $0x64;
	s12 =	simm.s32 $0x7400  }
0x6: {  	s14 =	simm.s32 $0xA800;
	s15 =	simm.s32 $0x40D0;
	s16 =	simm.s32 $0xDC00  }
0x7: {  	s17 =	simm.s32 $0x4138;
	s18 =	simm.s32 $0x11000;
	s19 =	simm.s32 $0x41A0  }
0x8: {  	s20 =	simm.s32 $0x14400;
	s21 =	simm.s32 $0x4208;
	s22 =	simm.s32 $0x17800  }
0x9: {  	s23 =	simm.s32 $0x1;
	s24 =	simm.s32 $0x2;
	s25 =	simm.s32 $0x3  }
0xa: {  	s28 =	simm.s32 $0x5;
	s29 =	simm.s32 $0x6;
	s30 =	simm.s32 $0x1AC00  }
0xb: {  	v0 =	vlaneseq.u32;
	s31 =	simm.s32 $0x0;
	s3 =	sand.u32 $0x1, s3;
	s5 =	sshll.u32 s5, $0xC  }
0xc: {  	[smem:$0x7FF] =	sst s4;
	v0 =	vmul.u32 $0x3E8, v0;
	s6 =	sshll.u32 s3, $0xB;
	s3 =	ssub.s32 $0x2, s3  }
0xd: {  	_ =	strace $0x80000047;
	s6 =	sor.u32 s6, s5;
	s26 =	sshrl.u32 s3, $0x1  }
0xe: {  	v1 =	vadd.s32 $0x3E80, v0;
	v2 =	vadd.s32 $0x7D00, v0;
	v3 =	vadd.s32 $0xBB80, v0;
	s0 =	sadd.s32 s6, s0;
	s3 =	ssub.s32 s3, s26;
	s6 =	sadd.s32 s2, s6  }
0xf: {  	v4 =	vadd.s32 $0xFA00, v0;
	v5 =	vadd.s32 $0x13880, v0;
	v6 =	vadd.s32 $0x14820, v0;
	s26 =	simm.s32 $0x4;
	s5 =	sadd.s32 $0x400, s0;
	s7 =	smax.u32 s3, $0x1  }
.LBB2_1:
0x10: {  	[tilespmem:s4], [sflag:$0x7] =	stream.linear.gather [hbm4b:s5+s4], $0x4000, $0x38;
	[tilespmem:$0x1EC80] =	vst v63  }
0x11: {  	_ =	swait.ge [sflag:s8], $0x4000  }
0x12: {  	[sflag:s8] =	ssyncset.done $0x0  }
0x13: {  	[sflag:s8] =	ssyncadd.s32 $0xFFFFC000  }
0x14: {  	s2 =	simm.s32 $0x1EC00;
	s0 =	rddreg [dreg:$0x2]  }
0x15: {  	[tilespmem:s2], [sflag:$0x7] =	stream.linear.gather [hbm4b:s0+s4], $0x80, $0x38;
	[tilespmem:$0x1EC80] =	vst v63  }
0x16: {  	_ =	swait.ge [sflag:s8], $0x80  }
0x17: {  	[sflag:s8] =	ssyncset.done $0x0  }
0x18: {  	[sflag:s8] =	ssyncadd.s32 $0xFFFFFF80  }
0x19: {  	v7 =	vld [tilespmem:$0x0]  }
0x1a: {  	v8 =	vld [tilespmem:$0x10]  }
0x1b: {  	v9 =	vld [tilespmem:$0x20]  }
0x1c: {  	v10 =	vld [tilespmem:$0x30]  }
0x1d: {  	v11 =	vld [tilespmem:$0x40]  }
0x1e: {  	v12 =	vld [tilespmem:$0x50]  }
0x1f: {  	v13 =	vld [tilespmem:$0x54];
	v7 =	vadd.s32 v0, v7  }
0x20: {  	v14 =	vld [tilespmem:$0x80];
	[tilespmem:$0x4000] =	vst v7;
	v7 =	vadd.s32 v1, v8  }
0x21: {  	v15 =	vld [tilespmem:$0x2C0];
	[tilespmem:$0x4010] =	vst v7;
	v7 =	vadd.s32 v2, v9  }
0x22: {  	v8 =	vld [tilespmem:$0x90];
	[tilespmem:$0x4020] =	vst v7;
	v7 =	vadd.s32 v3, v10  }
0x23: {  	v9 =	vld [tilespmem:$0xA0];
	[tilespmem:$0x4030] =	vst v7;
	v7 =	vadd.s32 v4, v11  }
0x24: {  	v10 =	vld [tilespmem:$0xB0];
	[tilespmem:$0x4040] =	vst v7;
	v7 =	vadd.s32 v5, v12  }
0x25: {  	v11 =	vld [tilespmem:$0xC0];
	[tilespmem:$0x4050] =	vst v7;
	v7 =	vadd.s32 v6, v13  }
0x26: {  	v12 =	vld [tilespmem:$0xD0];
	[tilespmem:$0x4054] =	vst v7;
	v7 =	vadd.s32 v0, v14  }
0x27: {  	v13 =	vld [tilespmem:$0xD4];
	[tilespmem:$0x4068] =	vst v7;
	v7 =	vadd.s32 v1, v8  }
0x28: {  	v14 =	vld [tilespmem:$0x100];
	[tilespmem:$0x4078] =	vst v7;
	v7 =	vadd.s32 v2, v9  }
0x29: {  	v8 =	vld [tilespmem:$0x110];
	[tilespmem:$0x4088] =	vst v7;
	v7 =	vadd.s32 v3, v10  }
0x2a: {  	v9 =	vld [tilespmem:$0x120];
	[tilespmem:$0x4098] =	vst v7;
	v7 =	vadd.s32 v4, v11  }
0x2b: {  	v10 =	vld [tilespmem:$0x130];
	[tilespmem:$0x40A8] =	vst v7;
	v7 =	vadd.s32 v5, v12  }
0x2c: {  	v11 =	vld [tilespmem:$0x140];
	[tilespmem:$0x40B8] =	vst v7;
	v7 =	vadd.s32 v6, v13  }
0x2d: {  	v12 =	vld [tilespmem:$0x150];
	[tilespmem:$0x40BC] =	vst v7;
	v7 =	vadd.s32 v0, v14  }
0x2e: {  	v13 =	vld [tilespmem:$0x154];
	[tilespmem:$0x40D0] =	vst v7;
	v7 =	vadd.s32 v1, v8  }
0x2f: {  	v14 =	vld [tilespmem:$0x180];
	[tilespmem:$0x40E0] =	vst v7;
	v7 =	vadd.s32 v2, v9  }
0x30: {  	v8 =	vld [tilespmem:$0x190];
	[tilespmem:$0x40F0] =	vst v7;
	v7 =	vadd.s32 v3, v10  }
0x31: {  	v9 =	vld [tilespmem:$0x1A0];
	[tilespmem:$0x4100] =	vst v7;
	v7 =	vadd.s32 v4, v11  }
0x32: {  	v10 =	vld [tilespmem:$0x1B0];
	[tilespmem:$0x4110] =	vst v7;
	v7 =	vadd.s32 v5, v12  }
0x33: {  	v11 =	vld [tilespmem:$0x1C0];
	[tilespmem:$0x4120] =	vst v7;
	v7 =	vadd.s32 v6, v13  }
0x34: {  	v12 =	vld [tilespmem:$0x1D0];
	[tilespmem:$0x4124] =	vst v7;
	v7 =	vadd.s32 v0, v14  }
0x35: {  	v13 =	vld [tilespmem:$0x1D4];
	[tilespmem:$0x4138] =	vst v7;
	v7 =	vadd.s32 v1, v8  }
0x36: {  	v14 =	vld [tilespmem:$0x200];
	[tilespmem:$0x4148] =	vst v7;
	v7 =	vadd.s32 v2, v9  }
0x37: {  	v8 =	vld [tilespmem:$0x210];
	[tilespmem:$0x4158] =	vst v7;
	v7 =	vadd.s32 v3, v10  }
0x38: {  	v9 =	vld [tilespmem:$0x220];
	[tilespmem:$0x4168] =	vst v7;
	v7 =	vadd.s32 v4, v11  }
0x39: {  	v10 =	vld [tilespmem:$0x230];
	[tilespmem:$0x4178] =	vst v7;
	v7 =	vadd.s32 v5, v12  }
0x3a: {  	v11 =	vld [tilespmem:$0x240];
	[tilespmem:$0x4188] =	vst v7;
	v7 =	vadd.s32 v6, v13  }
0x3b: {  	v12 =	vld [tilespmem:$0x250];
	[tilespmem:$0x418C] =	vst v7;
	v7 =	vadd.s32 v0, v14  }
0x3c: {  	v13 =	vld [tilespmem:$0x254];
	[tilespmem:$0x41A0] =	vst v7;
	v7 =	vadd.s32 v1, v8  }
0x3d: {  	v14 =	vld [tilespmem:$0x280];
	[tilespmem:$0x41B0] =	vst v7;
	v7 =	vadd.s32 v2, v9  }
0x3e: {  	v8 =	vld [tilespmem:$0x290];
	[tilespmem:$0x41C0] =	vst v7;
	v7 =	vadd.s32 v3, v10  }
0x3f: {  	v16 =	vld [tilespmem:$0x2D0];
	[tilespmem:$0x41D0] =	vst v7;
	v7 =	vadd.s32 v4, v11  }
0x40: {  	v9 =	vld [tilespmem:$0x2A0];
	[tilespmem:$0x41E0] =	vst v7;
	v7 =	vadd.s32 v5, v12  }
0x41: {  	v17 =	vld [tilespmem:$0x2D4];
	[tilespmem:$0x41F0] =	vst v7;
	v7 =	vadd.s32 v6, v13  }
0x42: {  	v10 =	vld [tilespmem:$0x2B0];
	[tilespmem:$0x41F4] =	vst v7;
	v7 =	vadd.s32 v0, v14  }
0x43: {  	v11 =	vld [tilespmem:$0x1EC00];
	[tilespmem:$0x4208] =	vst v7;
	v7 =	vadd.s32 v1, v8  }
0x44: {  	v12 =	vld [tilespmem:$0x1EC10];
	v8 =	vadd.s32 v4, v15;
	[tilespmem:$0x4218] =	vst v7  }
0x45: {  	v13 =	vld [tilespmem:$0x1EC20];
	v7 =	vadd.s32 v2, v9;
	[tilespmem:$0x4248] =	vst v8  }
0x46: {  	v14 =	vld [tilespmem:$0x1EC30];
	v9 =	vadd.s32 v5, v16;
	[tilespmem:$0x4228] =	vst v7  }
0x47: {  	v8 =	vld [tilespmem:$0x1EC50];
	v7 =	vadd.s32 v3, v10;
	[tilespmem:$0x4258] =	vst v9  }
0x48: {  	v9 =	vadd.s32 v6, v17;
	v10 =	vld [tilespmem:$0x1EC60];
	[tilespmem:$0x4238] =	vst v7  }
0x49: {  	s9 =	simm.s32 $0x4000;
	v7 =	vld [tilespmem:$0x1EC40];
	[tilespmem:$0x425C] =	vst v9  }
0x4a: {  	v9 =	vld [tilespmem:$0x1EC70];
	[tilespmem:s12], [sflag:$0x1] =	stream.indirect.gather [hbm4b:s1+s10], $0x80, s9, s10, $0xb8  }
0x4b: {  	s11 =	simm.s32 $0x4068  }
0x4c: {  	[tilespmem:s14], [sflag:$0x2] =	stream.indirect.gather [hbm4b:s1+s10], $0x80, s11, s10, $0xb8;
	[tilespmem:$0x1EC80] =	vst v63  }
0x4d: {  	_ = 	snop  }
0x4e: {  	[tilespmem:s16], [sflag:$0x3] =	stream.indirect.gather [hbm4b:s1+s10], $0x80, s15, s10, $0xb8;
	[tilespmem:$0x1EC80] =	vst v63  }
0x4f: {  	_ = 	snop  }
0x50: {  	[tilespmem:s18], [sflag:$0x4] =	stream.indirect.gather [hbm4b:s1+s10], $0x80, s17, s10, $0xb8;
	[tilespmem:$0x1EC80] =	vst v63  }
0x51: {  	_ = 	snop  }
0x52: {  	[tilespmem:s20], [sflag:$0x5] =	stream.indirect.gather [hbm4b:s1+s10], $0x80, s19, s10, $0xb8;
	[tilespmem:$0x1EC80] =	vst v63  }
0x53: {  	s13 =	simm.s32 $0x0  }
0x54: {  	[tilespmem:s22], [sflag:$0x6] =	stream.indirect.gather [hbm4b:s1+s10], $0x80, s21, s10, $0xb8;
	[tilespmem:$0x1EC80] =	vst v63  }
0x55: {  	v15 =	vld [tilespmem:s13+$0x300];
	_ =	sdelay $0x4  }
0x56: {  	s0 =	simm.s32 $0x42C4;
	v15 =	vadd.s32 v0, v15  }
0x57: {  	[tilespmem:s0+$0xFFFFFFAC] =	vst v15  }
0x58: {  	v15 =	vld [tilespmem:s13+$0x310];
	_ =	sdelay $0x4  }
0x59: {  	v15 =	vadd.s32 v1, v15  }
0x5a: {  	[tilespmem:s0+$0xFFFFFFBC] =	vst v15  }
0x5b: {  	v15 =	vld [tilespmem:s13+$0x320];
	_ =	sdelay $0x4  }
0x5c: {  	v15 =	vadd.s32 v2, v15  }
0x5d: {  	[tilespmem:s0+$0xFFFFFFCC] =	vst v15  }
0x5e: {  	v15 =	vld [tilespmem:s13+$0x330];
	_ =	sdelay $0x4  }
0x5f: {  	v15 =	vadd.s32 v3, v15  }
0x60: {  	[tilespmem:s0+$0xFFFFFFDC] =	vst v15  }
0x61: {  	v15 =	vld [tilespmem:s13+$0x340];
	_ =	sdelay $0x4  }
0x62: {  	v15 =	vadd.s32 v4, v15  }
0x63: {  	[tilespmem:s0+$0xFFFFFFEC] =	vst v15  }
0x64: {  	v15 =	vld [tilespmem:s13+$0x350];
	_ =	sdelay $0x4  }
0x65: {  	v15 =	vadd.s32 v5, v15  }
0x66: {  	[tilespmem:s0+$0xFFFFFFFC] =	vst v15  }
0x67: {  	v15 =	vld [tilespmem:s13+$0x354];
	_ =	sdelay $0x4  }
0x68: {  	v15 =	vadd.s32 v6, v15  }
0x69: {  	s3 =	simm.s32 $0x400;
	s2 =	simm.s32 $0x80;
	[tilespmem:s0+$0x0] =	vst v15  }
.LBB2_2:
0x6a: {  	p0 =	sne.s32 s3, $0xF200;
	v15 =	vld [tilespmem:s2+$0x300];
	_ =	sdelay $0x4  }
0x6b: {  	s0 =	sadd.s32 $0x68, s0;
	v15 =	vadd.s32 v0, v15  }
0x6c: {  	[tilespmem:s0+$0xFFFFFFAC] =	vst v15  }
0x6d: {  	v15 =	vld [tilespmem:s2+$0x310];
	_ =	sdelay $0x4  }
0x6e: {  	v15 =	vadd.s32 v1, v15  }
0x6f: {  	[tilespmem:s0+$0xFFFFFFBC] =	vst v15  }
0x70: {  	v15 =	vld [tilespmem:s2+$0x320];
	_ =	sdelay $0x4  }
0x71: {  	v15 =	vadd.s32 v2, v15  }
0x72: {  	[tilespmem:s0+$0xFFFFFFCC] =	vst v15  }
0x73: {  	v15 =	vld [tilespmem:s2+$0x330];
	_ =	sdelay $0x4  }
0x74: {  	v15 =	vadd.s32 v3, v15  }
0x75: {  	[tilespmem:s0+$0xFFFFFFDC] =	vst v15  }
0x76: {  	v15 =	vld [tilespmem:s2+$0x340];
	_ =	sdelay $0x4  }
0x77: {  	v15 =	vadd.s32 v4, v15  }
0x78: {  	[tilespmem:s0+$0xFFFFFFEC] =	vst v15  }
0x79: {  	v15 =	vld [tilespmem:s2+$0x350];
	_ =	sdelay $0x4  }
0x7a: {  	v15 =	vadd.s32 v5, v15  }
0x7b: {  	[tilespmem:s0+$0xFFFFFFFC] =	vst v15  }
0x7c: {  	v15 =	vld [tilespmem:s2+$0x354];
	_ =	sdelay $0x1  }
.Ltmp0:
0x7d: {  	(pc) =	sbr.rel @p0 .LBB2_2-.Ltmp0, $3  }
0x7e: {  	_ =	sdelay $0x1  }
0x7f: {  	v15 =	vadd.s32 v6, v15  }
0x80: {  	s2 =	sshra.s32 s3, $0x2;
	s3 =	sadd.s32 $0x200, s3;
	[tilespmem:s0+$0x0] =	vst v15  }
0x81: {  	v15 =	vld [tilespmem:s2+$0x300];
	_ =	sdelay $0x4  }
0x82: {  	s0 =	sadd.s32 $0x68, s0;
	v15 =	vadd.s32 v0, v15  }
0x83: {  	[tilespmem:s0+$0xFFFFFFAC] =	vst v15  }
0x84: {  	v15 =	vld [tilespmem:s2+$0x310];
	_ =	sdelay $0x4  }
0x85: {  	v15 =	vadd.s32 v1, v15  }
0x86: {  	[tilespmem:s0+$0xFFFFFFBC] =	vst v15  }
0x87: {  	v15 =	vld [tilespmem:s2+$0x320];
	_ =	sdelay $0x4  }
0x88: {  	v15 =	vadd.s32 v2, v15  }
0x89: {  	[tilespmem:s0+$0xFFFFFFCC] =	vst v15  }
0x8a: {  	v15 =	vld [tilespmem:s2+$0x330];
	_ =	sdelay $0x4  }
0x8b: {  	v15 =	vadd.s32 v3, v15  }
0x8c: {  	[tilespmem:s0+$0xFFFFFFDC] =	vst v15  }
0x8d: {  	v15 =	vld [tilespmem:s2+$0x340];
	_ =	sdelay $0x4  }
0x8e: {  	v15 =	vadd.s32 v4, v15  }
0x8f: {  	[tilespmem:s0+$0xFFFFFFEC] =	vst v15  }
0x90: {  	v15 =	vld [tilespmem:s2+$0x350];
	_ =	sdelay $0x4  }
0x91: {  	v15 =	vadd.s32 v5, v15  }
0x92: {  	[tilespmem:s0+$0xFFFFFFFC] =	vst v15  }
0x93: {  	v15 =	vld [tilespmem:s2+$0x354];
	_ =	sdelay $0x4  }
0x94: {  	v15 =	vadd.s32 v6, v15  }
0x95: {  	[tilespmem:s0+$0x0] =	vst v15;
	s0 =	simm.s32 $0x0  }
.LBB2_4:
0x96: {  	_ =	swait.ge [sflag:s23], $0x3200  }
0x97: {  	[sflag:s23] =	ssyncset.done $0x0  }
0x98: {  	s3 =	simm.s32 $0x7480;
	[sflag:s23] =	ssyncadd.s32 $0xFFFFCE00  }
0x99: {  	v19 =	vld [tilespmem:s3+$0x0]  }
0x9a: {  	v20 =	vld [tilespmem:s3+$0x10]  }
0x9b: {  	v17 =	vld [tilespmem:s3+$0x20]  }
0x9c: {  	v18 =	vld [tilespmem:s3+$0x30]  }
0x9d: {  	v15 =	vld [tilespmem:s3+$0x40]  }
0x9e: {  	v16 =	vld [tilespmem:s3+$0x50]  }
0x9f: {  	v21 =	vld [tilespmem:s3+$0xFFFFFF80]  }
0xa0: {  	v22 =	vld [tilespmem:s3+$0xFFFFFF90]  }
0xa1: {  	v23 =	vld [tilespmem:s3+$0xFFFFFFA0]  }
0xa2: {  	v24 =	vld [tilespmem:s3+$0xFFFFFFB0]  }
0xa3: {  	v28 =	vld [tilespmem:s3+$0xFFFFFFC0]  }
0xa4: {  	v27 =	vld [tilespmem:s3+$0xFFFFFFD0];
	v21 =	vadd.f32 v21, v11  }
0xa5: {  	v25 =	vld [tilespmem:s3+$0xFFFFFFE0]  }
0xa6: {  	v29 =	vld [tilespmem:s3+$0xFFFFFFF0];
	v30 =	vadd.f32 v22, v12  }
0xa7: {  	v26 =	vld [tilespmem:s3+$0x60];
	v32 =	vadd.f32 v23, v13;
	v31 =	vadd.f32 v24, v14;
	v24 =	vmov v7  }
0xa8: {  	s2 =	simm.s32 $0x0;
	v23 =	vmovc v8;
	v22 =	vadd.f32 v19, v21;
	v20 =	vadd.f32 v20, v30;
	v30 =	vld [tilespmem:s3+$0x70];
	s3 =	simm.s32 $0x7580;
	v19 =	vmovc v9;
	v21 =	vmov v10  }
.LBB2_5:
0xa9: {  	v33 =	vld [tilespmem:s3+$0x0];
	v32 =	vadd.f32 v17, v32;
	v31 =	vadd.f32 v18, v31  }
0xaa: {  	v24 =	vadd.f32 v28, v24;
	v23 =	vadd.f32 v27, v23;
	v34 =	vld [tilespmem:s3+$0x10]  }
0xab: {  	v21 =	vadd.f32 v25, v21;
	v17 =	vld [tilespmem:s3+$0x20];
	v19 =	vadd.f32 v29, v19  }
0xac: {  	v24 =	vadd.f32 v15, v24;
	v23 =	vadd.f32 v16, v23;
	v18 =	vld [tilespmem:s3+$0x30]  }
0xad: {  	v21 =	vadd.f32 v26, v21;
	v15 =	vld [tilespmem:s3+$0x40];
	v19 =	vadd.f32 v30, v19  }
0xae: {  	v16 =	vld [tilespmem:s3+$0x50]  }
0xaf: {  	v26 =	vld [tilespmem:s3+$0xFFFFFF80]  }
0xb0: {  	v29 =	vld [tilespmem:s3+$0xFFFFFF90]  }
0xb1: {  	v30 =	vld [tilespmem:s3+$0xFFFFFFA0]  }
0xb2: {  	s2 =	sadd.s32 $0x2, s2;
	v35 =	vld [tilespmem:s3+$0xFFFFFFB0]  }
0xb3: {  	p0 =	slt.u32 s2, $0x62;
	v28 =	vld [tilespmem:s3+$0xFFFFFFC0]  }
.Ltmp1:
0xb4: {  	v27 =	vld [tilespmem:s3+$0xFFFFFFD0];
	(pc) =	sbr.rel @p0 .LBB2_5-.Ltmp1, $4  }
0xb5: {  	v25 =	vld [tilespmem:s3+$0xFFFFFFE0]  }
0xb6: {  	v22 =	vadd.f32 v26, v22;
	v20 =	vadd.f32 v29, v20;
	v29 =	vld [tilespmem:s3+$0xFFFFFFF0]  }
0xb7: {  	v32 =	vadd.f32 v30, v32;
	v31 =	vadd.f32 v35, v31;
	v26 =	vld [tilespmem:s3+$0x60]  }
0xb8: {  	v22 =	vadd.f32 v33, v22;
	v20 =	vadd.f32 v34, v20;
	v30 =	vld [tilespmem:s3+$0x70];
	s3 =	sadd.s32 $0x100, s3  }
0xb9: {  	s2 =	smul.u32 $0xC00, s0;
	_ =	sdelay $0x1  }
0xba: {  	s2 =	sshra.s32 s2, $0x2  }
0xbb: {  	v17 =	vadd.f32 v17, v32;
	v24 =	vadd.f32 v28, v24;
	[tilespmem:s2+$0x1AC00] =	vst v22  }
0xbc: {  	v18 =	vadd.f32 v18, v31;
	v22 =	vadd.f32 v27, v23;
	[tilespmem:s2+$0x1AC10] =	vst v20  }
0xbd: {  	v15 =	vadd.f32 v15, v24;
	v20 =	vadd.f32 v25, v21;
	[tilespmem:s2+$0x1AC20] =	vst v17  }
0xbe: {  	v17 =	vadd.f32 v29, v19;
	[tilespmem:s2+$0x1AC30] =	vst v18;
	v16 =	vadd.f32 v16, v22  }
0xbf: {  	s3 =	smul.u32 $0x9C0, s0;
	[tilespmem:s2+$0x1AC40] =	vst v15;
	v18 =	vadd.f32 v26, v20  }
0xc0: {  	v15 =	vadd.f32 v30, v17;
	[tilespmem:s2+$0x1AC50] =	vst v16  }
0xc1: {  	s3 =	sshra.s32 s3, $0x2;
	[tilespmem:s2+$0x1AC60] =	vst v18  }
0xc2: {  	s9 =	sadd.s32 $0x4270, s3;
	[tilespmem:s2+$0x1AC70] =	vst v15  }
0xc3: {  	[tilespmem:s12], [sflag:$0x1] =	stream.indirect.gather [hbm4b:s1+s10], $0x80, s9, s10, $0xb8;
	[tilespmem:$0x1EC80] =	vst v63  }
0xc4: {  	_ =	swait.ge [sflag:s24], $0x3200  }
0xc5: {  	[sflag:s24] =	ssyncset.done $0x0  }
0xc6: {  	s11 =	simm.s32 $0xA880;
	[sflag:s24] =	ssyncadd.s32 $0xFFFFCE00  }
0xc7: {  	v19 =	vld [tilespmem:s11+$0x0]  }
0xc8: {  	v20 =	vld [tilespmem:s11+$0x10]  }
0xc9: {  	v17 =	vld [tilespmem:s11+$0x20]  }
0xca: {  	v18 =	vld [tilespmem:s11+$0x30]  }
0xcb: {  	v15 =	vld [tilespmem:s11+$0x40]  }
0xcc: {  	v16 =	vld [tilespmem:s11+$0x50]  }
0xcd: {  	v21 =	vld [tilespmem:s11+$0xFFFFFF80]  }
0xce: {  	v22 =	vld [tilespmem:s11+$0xFFFFFF90]  }
0xcf: {  	v23 =	vld [tilespmem:s11+$0xFFFFFFA0]  }
0xd0: {  	v24 =	vld [tilespmem:s11+$0xFFFFFFB0]  }
0xd1: {  	v28 =	vld [tilespmem:s11+$0xFFFFFFC0]  }
0xd2: {  	v27 =	vld [tilespmem:s11+$0xFFFFFFD0];
	v21 =	vadd.f32 v21, v11  }
0xd3: {  	v25 =	vld [tilespmem:s11+$0xFFFFFFE0]  }
0xd4: {  	v29 =	vld [tilespmem:s11+$0xFFFFFFF0];
	v30 =	vadd.f32 v22, v12  }
0xd5: {  	v26 =	vld [tilespmem:s11+$0x60];
	v32 =	vadd.f32 v23, v13;
	v31 =	vadd.f32 v24, v14;
	v24 =	vmov v7  }
0xd6: {  	s9 =	simm.s32 $0x0;
	v23 =	vmovc v8;
	v22 =	vadd.f32 v19, v21;
	v20 =	vadd.f32 v20, v30;
	v30 =	vld [tilespmem:s11+$0x70];
	s11 =	simm.s32 $0xA980;
	v19 =	vmovc v9;
	v21 =	vmov v10  }
.LBB2_7:
0xd7: {  	v33 =	vld [tilespmem:s11+$0x0];
	v32 =	vadd.f32 v17, v32;
	v31 =	vadd.f32 v18, v31  }
0xd8: {  	v24 =	vadd.f32 v28, v24;
	v23 =	vadd.f32 v27, v23;
	v34 =	vld [tilespmem:s11+$0x10]  }
0xd9: {  	v21 =	vadd.f32 v25, v21;
	v17 =	vld [tilespmem:s11+$0x20];
	v19 =	vadd.f32 v29, v19  }
0xda: {  	v24 =	vadd.f32 v15, v24;
	v23 =	vadd.f32 v16, v23;
	v18 =	vld [tilespmem:s11+$0x30]  }
0xdb: {  	v21 =	vadd.f32 v26, v21;
	v15 =	vld [tilespmem:s11+$0x40];
	v19 =	vadd.f32 v30, v19  }
0xdc: {  	v16 =	vld [tilespmem:s11+$0x50]  }
0xdd: {  	v26 =	vld [tilespmem:s11+$0xFFFFFF80]  }
0xde: {  	v29 =	vld [tilespmem:s11+$0xFFFFFF90]  }
0xdf: {  	v30 =	vld [tilespmem:s11+$0xFFFFFFA0]  }
0xe0: {  	s9 =	sadd.s32 $0x2, s9;
	v35 =	vld [tilespmem:s11+$0xFFFFFFB0]  }
0xe1: {  	p0 =	slt.u32 s9, $0x62;
	v28 =	vld [tilespmem:s11+$0xFFFFFFC0]  }
.Ltmp2:
0xe2: {  	v27 =	vld [tilespmem:s11+$0xFFFFFFD0];
	(pc) =	sbr.rel @p0 .LBB2_7-.Ltmp2, $4  }
0xe3: {  	v25 =	vld [tilespmem:s11+$0xFFFFFFE0]  }
0xe4: {  	v22 =	vadd.f32 v26, v22;
	v20 =	vadd.f32 v29, v20;
	v29 =	vld [tilespmem:s11+$0xFFFFFFF0]  }
0xe5: {  	v32 =	vadd.f32 v30, v32;
	v31 =	vadd.f32 v35, v31;
	v26 =	vld [tilespmem:s11+$0x60]  }
0xe6: {  	v22 =	vadd.f32 v33, v22;
	v20 =	vadd.f32 v34, v20;
	v30 =	vld [tilespmem:s11+$0x70];
	s11 =	sadd.s32 $0x100, s11  }
0xe7: {  	_ = 	snop  }
0xe8: {  	v17 =	vadd.f32 v17, v32;
	v24 =	vadd.f32 v28, v24;
	[tilespmem:s2+$0x1AC80] =	vst v22  }
0xe9: {  	v18 =	vadd.f32 v18, v31;
	v22 =	vadd.f32 v27, v23;
	[tilespmem:s2+$0x1AC90] =	vst v20  }
0xea: {  	v20 =	vadd.f32 v25, v21;
	v15 =	vadd.f32 v15, v24;
	[tilespmem:s2+$0x1ACA0] =	vst v17  }
0xeb: {  	v17 =	vadd.f32 v29, v19;
	[tilespmem:s2+$0x1ACB0] =	vst v18;
	v16 =	vadd.f32 v16, v22  }
0xec: {  	v18 =	vadd.f32 v26, v20;
	[tilespmem:s2+$0x1ACC0] =	vst v15  }
0xed: {  	v15 =	vadd.f32 v30, v17;
	[tilespmem:s2+$0x1ACD0] =	vst v16  }
0xee: {  	[tilespmem:s2+$0x1ACE0] =	vst v18  }
0xef: {  	s9 =	sadd.s32 $0x42D8, s3;
	[tilespmem:s2+$0x1ACF0] =	vst v15  }
0xf0: {  	[tilespmem:s14], [sflag:$0x2] =	stream.indirect.gather [hbm4b:s1+s10], $0x80, s9, s10, $0xb8;
	[tilespmem:$0x1EC80] =	vst v63  }
0xf1: {  	_ =	swait.ge [sflag:s25], $0x3200  }
0xf2: {  	[sflag:s25] =	ssyncset.done $0x0  }
0xf3: {  	s11 =	simm.s32 $0xDC80;
	[sflag:s25] =	ssyncadd.s32 $0xFFFFCE00  }
0xf4: {  	v19 =	vld [tilespmem:s11+$0x0]  }
0xf5: {  	v20 =	vld [tilespmem:s11+$0x10]  }
0xf6: {  	v17 =	vld [tilespmem:s11+$0x20]  }
0xf7: {  	v18 =	vld [tilespmem:s11+$0x30]  }
0xf8: {  	v15 =	vld [tilespmem:s11+$0x40]  }
0xf9: {  	v16 =	vld [tilespmem:s11+$0x50]  }
0xfa: {  	v21 =	vld [tilespmem:s11+$0xFFFFFF80]  }
0xfb: {  	v22 =	vld [tilespmem:s11+$0xFFFFFF90]  }
0xfc: {  	v23 =	vld [tilespmem:s11+$0xFFFFFFA0]  }
0xfd: {  	v24 =	vld [tilespmem:s11+$0xFFFFFFB0]  }
0xfe: {  	v28 =	vld [tilespmem:s11+$0xFFFFFFC0]  }
0xff: {  	v27 =	vld [tilespmem:s11+$0xFFFFFFD0];
	v21 =	vadd.f32 v21, v11  }
0x100: {  	v25 =	vld [tilespmem:s11+$0xFFFFFFE0]  }
0x101: {  	v29 =	vld [tilespmem:s11+$0xFFFFFFF0];
	v30 =	vadd.f32 v22, v12  }
0x102: {  	v26 =	vld [tilespmem:s11+$0x60];
	v32 =	vadd.f32 v23, v13;
	v31 =	vadd.f32 v24, v14;
	v24 =	vmov v7  }
0x103: {  	s9 =	simm.s32 $0x0;
	v23 =	vmovc v8;
	v22 =	vadd.f32 v19, v21;
	v20 =	vadd.f32 v20, v30;
	v30 =	vld [tilespmem:s11+$0x70];
	s11 =	simm.s32 $0xDD80;
	v19 =	vmovc v9;
	v21 =	vmov v10  }
.LBB2_9:
0x104: {  	v33 =	vld [tilespmem:s11+$0x0];
	v32 =	vadd.f32 v17, v32;
	v31 =	vadd.f32 v18, v31  }
0x105: {  	v24 =	vadd.f32 v28, v24;
	v23 =	vadd.f32 v27, v23;
	v34 =	vld [tilespmem:s11+$0x10]  }
0x106: {  	v21 =	vadd.f32 v25, v21;
	v17 =	vld [tilespmem:s11+$0x20];
	v19 =	vadd.f32 v29, v19  }
0x107: {  	v24 =	vadd.f32 v15, v24;
	v23 =	vadd.f32 v16, v23;
	v18 =	vld [tilespmem:s11+$0x30]  }
0x108: {  	v21 =	vadd.f32 v26, v21;
	v15 =	vld [tilespmem:s11+$0x40];
	v19 =	vadd.f32 v30, v19  }
0x109: {  	v16 =	vld [tilespmem:s11+$0x50]  }
0x10a: {  	v26 =	vld [tilespmem:s11+$0xFFFFFF80]  }
0x10b: {  	v29 =	vld [tilespmem:s11+$0xFFFFFF90]  }
0x10c: {  	v30 =	vld [tilespmem:s11+$0xFFFFFFA0]  }
0x10d: {  	s9 =	sadd.s32 $0x2, s9;
	v35 =	vld [tilespmem:s11+$0xFFFFFFB0]  }
0x10e: {  	p0 =	slt.u32 s9, $0x62;
	v28 =	vld [tilespmem:s11+$0xFFFFFFC0]  }
.Ltmp3:
0x10f: {  	v27 =	vld [tilespmem:s11+$0xFFFFFFD0];
	(pc) =	sbr.rel @p0 .LBB2_9-.Ltmp3, $4  }
0x110: {  	v25 =	vld [tilespmem:s11+$0xFFFFFFE0]  }
0x111: {  	v22 =	vadd.f32 v26, v22;
	v20 =	vadd.f32 v29, v20;
	v29 =	vld [tilespmem:s11+$0xFFFFFFF0]  }
0x112: {  	v32 =	vadd.f32 v30, v32;
	v31 =	vadd.f32 v35, v31;
	v26 =	vld [tilespmem:s11+$0x60]  }
0x113: {  	v22 =	vadd.f32 v33, v22;
	v20 =	vadd.f32 v34, v20;
	v30 =	vld [tilespmem:s11+$0x70];
	s11 =	sadd.s32 $0x100, s11  }
0x114: {  	_ = 	snop  }
0x115: {  	v17 =	vadd.f32 v17, v32;
	v24 =	vadd.f32 v28, v24;
	[tilespmem:s2+$0x1AD00] =	vst v22  }
0x116: {  	v18 =	vadd.f32 v18, v31;
	v22 =	vadd.f32 v27, v23;
	[tilespmem:s2+$0x1AD10] =	vst v20  }
0x117: {  	v20 =	vadd.f32 v25, v21;
	v15 =	vadd.f32 v15, v24;
	[tilespmem:s2+$0x1AD20] =	vst v17  }
0x118: {  	v17 =	vadd.f32 v29, v19;
	[tilespmem:s2+$0x1AD30] =	vst v18;
	v16 =	vadd.f32 v16, v22  }
0x119: {  	v18 =	vadd.f32 v26, v20;
	[tilespmem:s2+$0x1AD40] =	vst v15  }
0x11a: {  	v15 =	vadd.f32 v30, v17;
	[tilespmem:s2+$0x1AD50] =	vst v16  }
0x11b: {  	p0 =	seq.s32 s0, $0x14;
	[tilespmem:s2+$0x1AD60] =	vst v18  }
0x11c: {  	s9 =	sadd.s32 @!p0 $0x4340, s3;
	s11 =	simm.s32 @!p0 $0x64;
	s13 =	simm.s32 @!p0 $0xDC00;
	[tilespmem:s2+$0x1AD70] =	vst v15  }
0x11d: {  	[tilespmem:s13], [sflag:$0x3] =	stream.indirect.gather @!p0 [hbm4b:s1+s11], $0x80, s9, s11, $0xb8;
	[tilespmem:$0x1EC80] =	vst v63  }
0x11e: {  	_ =	swait.ge [sflag:s26], $0x3200  }
0x11f: {  	[sflag:s26] =	ssyncset.done $0x0  }
0x120: {  	s13 =	simm.s32 $0x11080;
	[sflag:s26] =	ssyncadd.s32 $0xFFFFCE00  }
0x121: {  	v19 =	vld [tilespmem:s13+$0x0]  }
0x122: {  	v20 =	vld [tilespmem:s13+$0x10]  }
0x123: {  	v17 =	vld [tilespmem:s13+$0x20]  }
0x124: {  	v18 =	vld [tilespmem:s13+$0x30]  }
0x125: {  	v15 =	vld [tilespmem:s13+$0x40]  }
0x126: {  	v16 =	vld [tilespmem:s13+$0x50]  }
0x127: {  	v21 =	vld [tilespmem:s13+$0xFFFFFF80]  }
0x128: {  	v22 =	vld [tilespmem:s13+$0xFFFFFF90]  }
0x129: {  	v23 =	vld [tilespmem:s13+$0xFFFFFFA0]  }
0x12a: {  	v24 =	vld [tilespmem:s13+$0xFFFFFFB0]  }
0x12b: {  	v28 =	vld [tilespmem:s13+$0xFFFFFFC0]  }
0x12c: {  	v27 =	vld [tilespmem:s13+$0xFFFFFFD0];
	v21 =	vadd.f32 v21, v11  }
0x12d: {  	v25 =	vld [tilespmem:s13+$0xFFFFFFE0]  }
0x12e: {  	v29 =	vld [tilespmem:s13+$0xFFFFFFF0];
	v30 =	vadd.f32 v22, v12  }
0x12f: {  	v26 =	vld [tilespmem:s13+$0x60];
	v32 =	vadd.f32 v23, v13;
	v31 =	vadd.f32 v24, v14;
	v24 =	vmov v7  }
0x130: {  	s9 =	simm.s32 $0x0;
	s11 =	simm.s32 $0x11180;
	v23 =	vmovc v8;
	v22 =	vadd.f32 v19, v21;
	v20 =	vadd.f32 v20, v30;
	v30 =	vld [tilespmem:s13+$0x70];
	v19 =	vmovc v9;
	v21 =	vmov v10  }
.LBB2_11:
0x131: {  	v33 =	vld [tilespmem:s11+$0x0];
	v32 =	vadd.f32 v17, v32;
	v31 =	vadd.f32 v18, v31  }
0x132: {  	v24 =	vadd.f32 v28, v24;
	v23 =	vadd.f32 v27, v23;
	v34 =	vld [tilespmem:s11+$0x10]  }
0x133: {  	v21 =	vadd.f32 v25, v21;
	v17 =	vld [tilespmem:s11+$0x20];
	v19 =	vadd.f32 v29, v19  }
0x134: {  	v24 =	vadd.f32 v15, v24;
	v23 =	vadd.f32 v16, v23;
	v18 =	vld [tilespmem:s11+$0x30]  }
0x135: {  	v21 =	vadd.f32 v26, v21;
	v15 =	vld [tilespmem:s11+$0x40];
	v19 =	vadd.f32 v30, v19  }
0x136: {  	v16 =	vld [tilespmem:s11+$0x50]  }
0x137: {  	v26 =	vld [tilespmem:s11+$0xFFFFFF80]  }
0x138: {  	v29 =	vld [tilespmem:s11+$0xFFFFFF90]  }
0x139: {  	v30 =	vld [tilespmem:s11+$0xFFFFFFA0]  }
0x13a: {  	s9 =	sadd.s32 $0x2, s9;
	v35 =	vld [tilespmem:s11+$0xFFFFFFB0]  }
0x13b: {  	p1 =	slt.u32 s9, $0x62;
	v28 =	vld [tilespmem:s11+$0xFFFFFFC0]  }
.Ltmp4:
0x13c: {  	v27 =	vld [tilespmem:s11+$0xFFFFFFD0];
	(pc) =	sbr.rel @p1 .LBB2_11-.Ltmp4, $4  }
0x13d: {  	v25 =	vld [tilespmem:s11+$0xFFFFFFE0]  }
0x13e: {  	v22 =	vadd.f32 v26, v22;
	v20 =	vadd.f32 v29, v20;
	v29 =	vld [tilespmem:s11+$0xFFFFFFF0]  }
0x13f: {  	v32 =	vadd.f32 v30, v32;
	v31 =	vadd.f32 v35, v31;
	v26 =	vld [tilespmem:s11+$0x60]  }
0x140: {  	v22 =	vadd.f32 v33, v22;
	v20 =	vadd.f32 v34, v20;
	v30 =	vld [tilespmem:s11+$0x70];
	s11 =	sadd.s32 $0x100, s11  }
0x141: {  	_ = 	snop  }
0x142: {  	v17 =	vadd.f32 v17, v32;
	v24 =	vadd.f32 v28, v24;
	[tilespmem:s2+$0x1AD80] =	vst v22  }
0x143: {  	v18 =	vadd.f32 v18, v31;
	v22 =	vadd.f32 v27, v23;
	[tilespmem:s2+$0x1AD90] =	vst v20  }
0x144: {  	v20 =	vadd.f32 v25, v21;
	v15 =	vadd.f32 v15, v24;
	[tilespmem:s2+$0x1ADA0] =	vst v17  }
0x145: {  	v17 =	vadd.f32 v29, v19;
	[tilespmem:s2+$0x1ADB0] =	vst v18;
	v16 =	vadd.f32 v16, v22  }
0x146: {  	v18 =	vadd.f32 v26, v20;
	[tilespmem:s2+$0x1ADC0] =	vst v15  }
0x147: {  	v15 =	vadd.f32 v30, v17;
	[tilespmem:s2+$0x1ADD0] =	vst v16  }
0x148: {  	[tilespmem:s2+$0x1ADE0] =	vst v18  }
0x149: {  	s9 =	sadd.s32 @!p0 $0x43A8, s3;
	s11 =	simm.s32 @!p0 $0x64;
	s13 =	simm.s32 @!p0 $0x11000;
	[tilespmem:s2+$0x1ADF0] =	vst v15  }
0x14a: {  	[tilespmem:s13], [sflag:$0x4] =	stream.indirect.gather @!p0 [hbm4b:s1+s11], $0x80, s9, s11, $0xb8;
	[tilespmem:$0x1EC80] =	vst v63  }
0x14b: {  	_ =	swait.ge [sflag:s28], $0x3200  }
0x14c: {  	[sflag:s28] =	ssyncset.done $0x0  }
0x14d: {  	s13 =	simm.s32 $0x14480;
	[sflag:s28] =	ssyncadd.s32 $0xFFFFCE00  }
0x14e: {  	v19 =	vld [tilespmem:s13+$0x0]  }
0x14f: {  	v20 =	vld [tilespmem:s13+$0x10]  }
0x150: {  	v17 =	vld [tilespmem:s13+$0x20]  }
0x151: {  	v18 =	vld [tilespmem:s13+$0x30]  }
0x152: {  	v15 =	vld [tilespmem:s13+$0x40]  }
0x153: {  	v16 =	vld [tilespmem:s13+$0x50]  }
0x154: {  	v21 =	vld [tilespmem:s13+$0xFFFFFF80]  }
0x155: {  	v22 =	vld [tilespmem:s13+$0xFFFFFF90]  }
0x156: {  	v23 =	vld [tilespmem:s13+$0xFFFFFFA0]  }
0x157: {  	v24 =	vld [tilespmem:s13+$0xFFFFFFB0]  }
0x158: {  	v28 =	vld [tilespmem:s13+$0xFFFFFFC0]  }
0x159: {  	v27 =	vld [tilespmem:s13+$0xFFFFFFD0];
	v21 =	vadd.f32 v21, v11  }
0x15a: {  	v25 =	vld [tilespmem:s13+$0xFFFFFFE0]  }
0x15b: {  	v29 =	vld [tilespmem:s13+$0xFFFFFFF0];
	v30 =	vadd.f32 v22, v12  }
0x15c: {  	v26 =	vld [tilespmem:s13+$0x60];
	v32 =	vadd.f32 v23, v13;
	v31 =	vadd.f32 v24, v14;
	v24 =	vmov v7  }
0x15d: {  	s9 =	simm.s32 $0x0;
	s11 =	simm.s32 $0x14580;
	v23 =	vmovc v8;
	v22 =	vadd.f32 v19, v21;
	v20 =	vadd.f32 v20, v30;
	v30 =	vld [tilespmem:s13+$0x70];
	v19 =	vmovc v9;
	v21 =	vmov v10  }
.LBB2_13:
0x15e: {  	v33 =	vld [tilespmem:s11+$0x0];
	v32 =	vadd.f32 v17, v32;
	v31 =	vadd.f32 v18, v31  }
0x15f: {  	v24 =	vadd.f32 v28, v24;
	v23 =	vadd.f32 v27, v23;
	v34 =	vld [tilespmem:s11+$0x10]  }
0x160: {  	v21 =	vadd.f32 v25, v21;
	v17 =	vld [tilespmem:s11+$0x20];
	v19 =	vadd.f32 v29, v19  }
0x161: {  	v24 =	vadd.f32 v15, v24;
	v23 =	vadd.f32 v16, v23;
	v18 =	vld [tilespmem:s11+$0x30]  }
0x162: {  	v21 =	vadd.f32 v26, v21;
	v15 =	vld [tilespmem:s11+$0x40];
	v19 =	vadd.f32 v30, v19  }
0x163: {  	v16 =	vld [tilespmem:s11+$0x50]  }
0x164: {  	v26 =	vld [tilespmem:s11+$0xFFFFFF80]  }
0x165: {  	v29 =	vld [tilespmem:s11+$0xFFFFFF90]  }
0x166: {  	v30 =	vld [tilespmem:s11+$0xFFFFFFA0]  }
0x167: {  	s9 =	sadd.s32 $0x2, s9;
	v35 =	vld [tilespmem:s11+$0xFFFFFFB0]  }
0x168: {  	p1 =	slt.u32 s9, $0x62;
	v28 =	vld [tilespmem:s11+$0xFFFFFFC0]  }
.Ltmp5:
0x169: {  	v27 =	vld [tilespmem:s11+$0xFFFFFFD0];
	(pc) =	sbr.rel @p1 .LBB2_13-.Ltmp5, $4  }
0x16a: {  	v25 =	vld [tilespmem:s11+$0xFFFFFFE0]  }
0x16b: {  	v22 =	vadd.f32 v26, v22;
	v20 =	vadd.f32 v29, v20;
	v29 =	vld [tilespmem:s11+$0xFFFFFFF0]  }
0x16c: {  	v32 =	vadd.f32 v30, v32;
	v31 =	vadd.f32 v35, v31;
	v26 =	vld [tilespmem:s11+$0x60]  }
0x16d: {  	v22 =	vadd.f32 v33, v22;
	v20 =	vadd.f32 v34, v20;
	v30 =	vld [tilespmem:s11+$0x70];
	s11 =	sadd.s32 $0x100, s11  }
0x16e: {  	_ = 	snop  }
0x16f: {  	v17 =	vadd.f32 v17, v32;
	v24 =	vadd.f32 v28, v24;
	[tilespmem:s2+$0x1AE00] =	vst v22  }
0x170: {  	v18 =	vadd.f32 v18, v31;
	v22 =	vadd.f32 v27, v23;
	[tilespmem:s2+$0x1AE10] =	vst v20  }
0x171: {  	v20 =	vadd.f32 v25, v21;
	v15 =	vadd.f32 v15, v24;
	[tilespmem:s2+$0x1AE20] =	vst v17  }
0x172: {  	v17 =	vadd.f32 v29, v19;
	[tilespmem:s2+$0x1AE30] =	vst v18;
	v16 =	vadd.f32 v16, v22  }
0x173: {  	v18 =	vadd.f32 v26, v20;
	[tilespmem:s2+$0x1AE40] =	vst v15  }
0x174: {  	v15 =	vadd.f32 v30, v17;
	[tilespmem:s2+$0x1AE50] =	vst v16  }
0x175: {  	[tilespmem:s2+$0x1AE60] =	vst v18  }
0x176: {  	s9 =	sadd.s32 @!p0 $0x4410, s3;
	s11 =	simm.s32 @!p0 $0x64;
	s13 =	simm.s32 @!p0 $0x14400;
	[tilespmem:s2+$0x1AE70] =	vst v15  }
0x177: {  	[tilespmem:s13], [sflag:$0x5] =	stream.indirect.gather @!p0 [hbm4b:s1+s11], $0x80, s9, s11, $0xb8;
	[tilespmem:$0x1EC80] =	vst v63  }
0x178: {  	_ =	swait.ge [sflag:s29], $0x3200  }
0x179: {  	[sflag:s29] =	ssyncset.done $0x0  }
0x17a: {  	s13 =	simm.s32 $0x17880;
	[sflag:s29] =	ssyncadd.s32 $0xFFFFCE00  }
0x17b: {  	v19 =	vld [tilespmem:s13+$0x0]  }
0x17c: {  	v20 =	vld [tilespmem:s13+$0x10]  }
0x17d: {  	v17 =	vld [tilespmem:s13+$0x20]  }
0x17e: {  	v18 =	vld [tilespmem:s13+$0x30]  }
0x17f: {  	v15 =	vld [tilespmem:s13+$0x40]  }
0x180: {  	v16 =	vld [tilespmem:s13+$0x50]  }
0x181: {  	v21 =	vld [tilespmem:s13+$0xFFFFFF80]  }
0x182: {  	v22 =	vld [tilespmem:s13+$0xFFFFFF90]  }
0x183: {  	v23 =	vld [tilespmem:s13+$0xFFFFFFA0]  }
0x184: {  	v24 =	vld [tilespmem:s13+$0xFFFFFFB0]  }
0x185: {  	v28 =	vld [tilespmem:s13+$0xFFFFFFC0]  }
0x186: {  	v27 =	vld [tilespmem:s13+$0xFFFFFFD0];
	v21 =	vadd.f32 v21, v11  }
0x187: {  	v25 =	vld [tilespmem:s13+$0xFFFFFFE0]  }
0x188: {  	v29 =	vld [tilespmem:s13+$0xFFFFFFF0];
	v30 =	vadd.f32 v22, v12  }
0x189: {  	v26 =	vld [tilespmem:s13+$0x60];
	v32 =	vadd.f32 v23, v13;
	v31 =	vadd.f32 v24, v14;
	v24 =	vmov v7  }
0x18a: {  	s9 =	simm.s32 $0x0;
	s11 =	simm.s32 $0x17980;
	v23 =	vmovc v8;
	v22 =	vadd.f32 v19, v21;
	v20 =	vadd.f32 v20, v30;
	v30 =	vld [tilespmem:s13+$0x70];
	v19 =	vmovc v9;
	v21 =	vmov v10  }
.LBB2_15:
0x18b: {  	v33 =	vld [tilespmem:s11+$0x0];
	v32 =	vadd.f32 v17, v32;
	v31 =	vadd.f32 v18, v31  }
0x18c: {  	v24 =	vadd.f32 v28, v24;
	v23 =	vadd.f32 v27, v23;
	v34 =	vld [tilespmem:s11+$0x10]  }
0x18d: {  	v21 =	vadd.f32 v25, v21;
	v17 =	vld [tilespmem:s11+$0x20];
	v19 =	vadd.f32 v29, v19  }
0x18e: {  	v24 =	vadd.f32 v15, v24;
	v23 =	vadd.f32 v16, v23;
	v18 =	vld [tilespmem:s11+$0x30]  }
0x18f: {  	v21 =	vadd.f32 v26, v21;
	v15 =	vld [tilespmem:s11+$0x40];
	v19 =	vadd.f32 v30, v19  }
0x190: {  	v16 =	vld [tilespmem:s11+$0x50]  }
0x191: {  	v26 =	vld [tilespmem:s11+$0xFFFFFF80]  }
0x192: {  	v29 =	vld [tilespmem:s11+$0xFFFFFF90]  }
0x193: {  	v30 =	vld [tilespmem:s11+$0xFFFFFFA0]  }
0x194: {  	s9 =	sadd.s32 $0x2, s9;
	v35 =	vld [tilespmem:s11+$0xFFFFFFB0]  }
0x195: {  	p1 =	slt.u32 s9, $0x62;
	v28 =	vld [tilespmem:s11+$0xFFFFFFC0]  }
.Ltmp6:
0x196: {  	v27 =	vld [tilespmem:s11+$0xFFFFFFD0];
	(pc) =	sbr.rel @p1 .LBB2_15-.Ltmp6, $4  }
0x197: {  	v25 =	vld [tilespmem:s11+$0xFFFFFFE0]  }
0x198: {  	v22 =	vadd.f32 v26, v22;
	v20 =	vadd.f32 v29, v20;
	v29 =	vld [tilespmem:s11+$0xFFFFFFF0]  }
0x199: {  	v32 =	vadd.f32 v30, v32;
	v31 =	vadd.f32 v35, v31;
	v26 =	vld [tilespmem:s11+$0x60]  }
0x19a: {  	v22 =	vadd.f32 v33, v22;
	v20 =	vadd.f32 v34, v20;
	v30 =	vld [tilespmem:s11+$0x70];
	s11 =	sadd.s32 $0x100, s11  }
0x19b: {  	_ = 	snop  }
0x19c: {  	v17 =	vadd.f32 v17, v32;
	v24 =	vadd.f32 v28, v24;
	[tilespmem:s2+$0x1AE80] =	vst v22  }
0x19d: {  	v18 =	vadd.f32 v18, v31;
	v60 =	vadd.f32 v27, v23;
	[tilespmem:s2+$0x1AE90] =	vst v20  }
0x19e: {  	v61 =	vadd.f32 v25, v21;
	v15 =	vadd.f32 v15, v24;
	[tilespmem:s2+$0x1AEA0] =	vst v17  }
.Ltmp7:
0x19f: {  	v62 =	vadd.f32 v29, v19;
	v16 =	vadd.f32 v16, v60;
	[tilespmem:s2+$0x1AEB0] =	vst v18;
	(pc) =	sbr.rel @p0 .LBB2_18-.Ltmp7, $4  }
0x1a0: {  	v63 =	vadd.f32 v26, v61;
	[tilespmem:s2+$0x1AEC0] =	vst v15  }
0x1a1: {  	v15 =	vadd.f32 v30, v62;
	[tilespmem:s2+$0x1AED0] =	vst v16  }
0x1a2: {  	[tilespmem:s2+$0x1AEE0] =	vst v63  }
0x1a3: {  	[tilespmem:s2+$0x1AEF0] =	vst v15  }
.Ltmp8:
0x1a4: {  	(pc) =	sbr.rel .LBB2_4-.Ltmp8, $3  }
0x1a5: {  	_ =	sdelay $0x1  }
0x1a6: {  	s2 =	sadd.s32 $0x4478, s3;
	s0 =	sadd.s32 $0x1, s0  }
0x1a7: {  	[tilespmem:s22], [sflag:$0x6] =	stream.indirect.gather [hbm4b:s1+s10], $0x80, s2, s10, $0xb8;
	[tilespmem:$0x1EC80] =	vst v63  }
.LBB2_18:
0x1a8: {  	_ =	swait.ge [sflag:s23], $0x3200  }
0x1a9: {  	[sflag:s23] =	ssyncset.done $0x0  }
0x1aa: {  	s2 =	simm.s32 $0x7480;
	[sflag:s23] =	ssyncadd.s32 $0xFFFFCE00  }
0x1ab: {  	v19 =	vld [tilespmem:s2+$0x0]  }
0x1ac: {  	v20 =	vld [tilespmem:s2+$0x10]  }
0x1ad: {  	v17 =	vld [tilespmem:s2+$0x20]  }
0x1ae: {  	v18 =	vld [tilespmem:s2+$0x30]  }
0x1af: {  	v15 =	vld [tilespmem:s2+$0x40]  }
0x1b0: {  	v16 =	vld [tilespmem:s2+$0x50]  }
0x1b1: {  	v21 =	vld [tilespmem:s2+$0xFFFFFF80]  }
0x1b2: {  	v22 =	vld [tilespmem:s2+$0xFFFFFF90]  }
0x1b3: {  	v23 =	vld [tilespmem:s2+$0xFFFFFFA0]  }
0x1b4: {  	v24 =	vld [tilespmem:s2+$0xFFFFFFB0]  }
0x1b5: {  	v28 =	vld [tilespmem:s2+$0xFFFFFFC0]  }
0x1b6: {  	v27 =	vld [tilespmem:s2+$0xFFFFFFD0];
	v21 =	vadd.f32 v21, v11  }
0x1b7: {  	v25 =	vld [tilespmem:s2+$0xFFFFFFE0]  }
0x1b8: {  	v29 =	vld [tilespmem:s2+$0xFFFFFFF0];
	v30 =	vadd.f32 v22, v12  }
0x1b9: {  	v26 =	vld [tilespmem:s2+$0x60];
	v32 =	vadd.f32 v23, v13;
	v31 =	vadd.f32 v24, v14;
	v24 =	vmov v7  }
0x1ba: {  	s0 =	simm.s32 $0x0;
	v23 =	vmovc v8;
	v22 =	vadd.f32 v19, v21;
	v20 =	vadd.f32 v20, v30;
	v30 =	vld [tilespmem:s2+$0x70];
	s2 =	simm.s32 $0x7580;
	v19 =	vmovc v9;
	v21 =	vmov v10  }
.LBB2_19:
0x1bb: {  	v33 =	vld [tilespmem:s2+$0x0];
	v32 =	vadd.f32 v17, v32;
	v31 =	vadd.f32 v18, v31  }
0x1bc: {  	v24 =	vadd.f32 v28, v24;
	v23 =	vadd.f32 v27, v23;
	v34 =	vld [tilespmem:s2+$0x10]  }
0x1bd: {  	v21 =	vadd.f32 v25, v21;
	v17 =	vld [tilespmem:s2+$0x20];
	v19 =	vadd.f32 v29, v19  }
0x1be: {  	v24 =	vadd.f32 v15, v24;
	v23 =	vadd.f32 v16, v23;
	v18 =	vld [tilespmem:s2+$0x30]  }
0x1bf: {  	v21 =	vadd.f32 v26, v21;
	v15 =	vld [tilespmem:s2+$0x40];
	v19 =	vadd.f32 v30, v19  }
0x1c0: {  	v16 =	vld [tilespmem:s2+$0x50]  }
0x1c1: {  	v26 =	vld [tilespmem:s2+$0xFFFFFF80]  }
0x1c2: {  	v29 =	vld [tilespmem:s2+$0xFFFFFF90]  }
0x1c3: {  	v30 =	vld [tilespmem:s2+$0xFFFFFFA0]  }
0x1c4: {  	s0 =	sadd.s32 $0x2, s0;
	v35 =	vld [tilespmem:s2+$0xFFFFFFB0]  }
0x1c5: {  	p0 =	slt.u32 s0, $0x62;
	v28 =	vld [tilespmem:s2+$0xFFFFFFC0]  }
.Ltmp9:
0x1c6: {  	v27 =	vld [tilespmem:s2+$0xFFFFFFD0];
	(pc) =	sbr.rel @p0 .LBB2_19-.Ltmp9, $4  }
0x1c7: {  	v25 =	vld [tilespmem:s2+$0xFFFFFFE0]  }
0x1c8: {  	v22 =	vadd.f32 v26, v22;
	v20 =	vadd.f32 v29, v20;
	v29 =	vld [tilespmem:s2+$0xFFFFFFF0]  }
0x1c9: {  	v32 =	vadd.f32 v30, v32;
	v31 =	vadd.f32 v35, v31;
	v26 =	vld [tilespmem:s2+$0x60]  }
0x1ca: {  	v22 =	vadd.f32 v33, v22;
	v20 =	vadd.f32 v34, v20;
	v30 =	vld [tilespmem:s2+$0x70];
	s2 =	sadd.s32 $0x100, s2  }
0x1cb: {  	_ = 	snop  }
0x1cc: {  	v17 =	vadd.f32 v17, v32;
	v24 =	vadd.f32 v28, v24;
	[tilespmem:$0x1EB00] =	vst v22  }
0x1cd: {  	v18 =	vadd.f32 v18, v31;
	v22 =	vadd.f32 v27, v23;
	[tilespmem:$0x1EB10] =	vst v20  }
0x1ce: {  	v20 =	vadd.f32 v25, v21;
	v15 =	vadd.f32 v15, v24;
	[tilespmem:$0x1EB20] =	vst v17  }
0x1cf: {  	v17 =	vadd.f32 v29, v19;
	[tilespmem:$0x1EB30] =	vst v18;
	v16 =	vadd.f32 v16, v22  }
0x1d0: {  	v18 =	vadd.f32 v26, v20;
	[tilespmem:$0x1EB40] =	vst v15  }
0x1d1: {  	v15 =	vadd.f32 v30, v17;
	[tilespmem:$0x1EB50] =	vst v16  }
0x1d2: {  	[tilespmem:$0x1EB60] =	vst v18  }
0x1d3: {  	[tilespmem:$0x1EB70] =	vst v15  }
0x1d4: {  	_ =	swait.ge [sflag:s24], $0x3200  }
0x1d5: {  	[sflag:s24] =	ssyncset.done $0x0  }
0x1d6: {  	s2 =	simm.s32 $0xA880;
	[sflag:s24] =	ssyncadd.s32 $0xFFFFCE00  }
0x1d7: {  	v25 =	vld [tilespmem:s2+$0x0]  }
0x1d8: {  	v26 =	vld [tilespmem:s2+$0x10]  }
0x1d9: {  	v17 =	vld [tilespmem:s2+$0x20]  }
0x1da: {  	v18 =	vld [tilespmem:s2+$0x30]  }
0x1db: {  	v15 =	vld [tilespmem:s2+$0x40]  }
0x1dc: {  	v16 =	vld [tilespmem:s2+$0x50]  }
0x1dd: {  	v22 =	vld [tilespmem:s2+$0xFFFFFF80]  }
0x1de: {  	v23 =	vld [tilespmem:s2+$0xFFFFFF90]  }
0x1df: {  	v24 =	vld [tilespmem:s2+$0xFFFFFFA0]  }
0x1e0: {  	v27 =	vld [tilespmem:s2+$0xFFFFFFB0]  }
0x1e1: {  	v21 =	vld [tilespmem:s2+$0xFFFFFFC0]  }
0x1e2: {  	v20 =	vld [tilespmem:s2+$0xFFFFFFD0]  }
0x1e3: {  	v19 =	vld [tilespmem:s2+$0xFFFFFFE0]  }
0x1e4: {  	v11 =	vadd.f32 v22, v11;
	v63 =	vadd.f32 v23, v12;
	v22 =	vld [tilespmem:s2+$0xFFFFFFF0]  }
0x1e5: {  	v24 =	vadd.f32 v24, v13;
	v23 =	vadd.f32 v27, v14;
	v13 =	vld [tilespmem:s2+$0x60]  }
0x1e6: {  	s0 =	simm.s32 $0x0;
	v14 =	vld [tilespmem:s2+$0x70];
	s2 =	simm.s32 $0xA980;
	v12 =	vadd.f32 v25, v11;
	v11 =	vadd.f32 v26, v63  }
.LBB2_21:
0x1e7: {  	v25 =	vld [tilespmem:s2+$0x0];
	v24 =	vadd.f32 v17, v24;
	v23 =	vadd.f32 v18, v23  }
0x1e8: {  	v7 =	vadd.f32 v21, v7;
	v8 =	vadd.f32 v20, v8;
	v26 =	vld [tilespmem:s2+$0x10]  }
0x1e9: {  	v10 =	vadd.f32 v19, v10;
	v17 =	vld [tilespmem:s2+$0x20];
	v9 =	vadd.f32 v22, v9  }
0x1ea: {  	v7 =	vadd.f32 v15, v7;
	v8 =	vadd.f32 v16, v8;
	v18 =	vld [tilespmem:s2+$0x30]  }
0x1eb: {  	v10 =	vadd.f32 v13, v10;
	v15 =	vld [tilespmem:s2+$0x40];
	v9 =	vadd.f32 v14, v9  }
0x1ec: {  	v16 =	vld [tilespmem:s2+$0x50]  }
0x1ed: {  	v13 =	vld [tilespmem:s2+$0xFFFFFF80]  }
0x1ee: {  	v14 =	vld [tilespmem:s2+$0xFFFFFF90]  }
0x1ef: {  	v27 =	vld [tilespmem:s2+$0xFFFFFFA0]  }
0x1f0: {  	s0 =	sadd.s32 $0x2, s0;
	v28 =	vld [tilespmem:s2+$0xFFFFFFB0]  }
0x1f1: {  	p0 =	slt.u32 s0, $0x62;
	v21 =	vld [tilespmem:s2+$0xFFFFFFC0]  }
.Ltmp10:
0x1f2: {  	v20 =	vld [tilespmem:s2+$0xFFFFFFD0];
	(pc) =	sbr.rel @p0 .LBB2_21-.Ltmp10, $4  }
0x1f3: {  	v19 =	vld [tilespmem:s2+$0xFFFFFFE0]  }
0x1f4: {  	v12 =	vadd.f32 v13, v12;
	v11 =	vadd.f32 v14, v11;
	v22 =	vld [tilespmem:s2+$0xFFFFFFF0]  }
0x1f5: {  	v24 =	vadd.f32 v27, v24;
	v23 =	vadd.f32 v28, v23;
	v13 =	vld [tilespmem:s2+$0x60]  }
0x1f6: {  	v12 =	vadd.f32 v25, v12;
	v11 =	vadd.f32 v26, v11;
	v14 =	vld [tilespmem:s2+$0x70];
	s2 =	sadd.s32 $0x100, s2  }
0x1f7: {  	_ = 	snop  }
0x1f8: {  	v17 =	vadd.f32 v17, v24;
	v7 =	vadd.f32 v21, v7;
	[tilespmem:$0x1EB80] =	vst v12  }
0x1f9: {  	v63 =	vadd.f32 v18, v23;
	v8 =	vadd.f32 v20, v8;
	[tilespmem:$0x1EB90] =	vst v11  }
0x1fa: {  	v10 =	vadd.f32 v19, v10;
	v7 =	vadd.f32 v15, v7;
	[tilespmem:$0x1EBA0] =	vst v17  }
0x1fb: {  	v9 =	vadd.f32 v22, v9;
	v8 =	vadd.f32 v16, v8;
	[tilespmem:$0x1EBB0] =	vst v63  }
0x1fc: {  	v10 =	vadd.f32 v13, v10;
	[tilespmem:$0x1EBC0] =	vst v7  }
0x1fd: {  	s31 =	sadd.s32 $0x1, s31;
	v7 =	vadd.f32 v14, v9;
	[tilespmem:$0x1EBD0] =	vst v8  }
0x1fe: {  	p0 =	sne.s32 s31, s7;
	[tilespmem:$0x1EBE0] =	vst v10  }
.Ltmp11:
0x1ff: {  	[tilespmem:$0x1EBF0] =	vst v7;
	(pc) =	sbr.rel @p0 .LBB2_1-.Ltmp11, $4  }
0x200: {  	[hbm4b:s6+s4] =	stream.linear.scatter [tilespmem:s30], [sflag:$0x7], $0x4000, $0x38;
	[tilespmem:$0x1EC80] =	vst v63  }
0x201: {  	_ =	swait.ge [sflag:s8], $0x4000  }
0x202: {  	[sflag:s8] =	ssyncset.done $0x0  }
0x203: {  	[sflag:s8] =	ssyncadd.s32 $0xFFFFC000  }
0x204: {  	_ =	sfence.sel $0x180000  }
0x205: {  	[bflag:$0x0] =	sbarrier.arrive $0xFFFF  }
0x206: {  	_ =	strace $0x90000047  }
0x207: {  	s0 =	stileid.u32;
	[bflag:$0x2] =	sbarrier.arrive $0xFFFF  }
0x208: {  	p0 =	sne.s32 s0, $0x0;
	s0 =	rddreg [dreg:$0x4]  }
0x209: {  	s0 =	sadd.s32 @!p0 $0x100000, s0  }
0x20a: {  	[sflag:s0] =	ssyncadd.tile.s32 @!p0 $0x1;
	_ =	shalt  }
.Lfunc_end2:
_tile_overlayer_lowered:
.L_overlay_start_2:
0x20b: {  	(tag) =	ssettag $0x2  }
0x20c: {  	s0 =	rddreg [dreg:$0x0];
	s2 =	stileid.u32  }
0x20d: {  	s1 =	rddreg [dreg:$0x1];
	p0 =	sne.s32 s2, $0x0  }
0x20e: {  	s3 =	rddreg [dreg:$0x2];
	[bflag:$0x3] =	sbarrier.arrive $0xFFFF;
	s2 =	simm.s32 @!p0 $0x1C07  }
0x20f: {  	[timem:s3], [sflag:s2] =	dma.local @!p0 [hbm:s0], s1  }
0x210: {  	s0 =	simm.s32 @!p0 $0x7  }
0x211: {  	_ =	swait.ge @!p0 [sflag:s0], s1  }
0x212: {  	s1 =	ssub.s32 @!p0 $0x0, s1;
	[sflag:s0] =	ssyncset.done @!p0 $0x0  }
0x213: {  	[sflag:s0] =	ssyncadd.s32 @!p0 s1  }
0x214: {  	[bflag:$0x3] =	sbarrier.arrive $0xFFFF  }
0x215: {  	_ =	shalt  }

</sc_bundles>
